<compile_context>
chip_gen: v7x
topology: tpu7x:2x2x1
jax: 0.10.2.dev20260603
libtpu: 0.0.44.dev20260713+nightly
codegen_flags: <defaults>
</compile_context>

<pallas_src>
import jax
import jax.numpy as jnp
from jax import lax
from jax.experimental import pallas as pl
from jax.experimental.pallas import tpu as pltpu
from jax.experimental.pallas import tpu_sc as plsc

N_NODES = 10000
N_EDGES = 10000
N_INC = 320000
F = 128

NC = 2
NS = 16
CHUNK = 125
ROWS_TOTAL = N_INC // CHUNK
ROWS_PER_TILE = ROWS_TOTAL // (NC * NS)
BLK = 16
NBLK = ROWS_PER_TILE // BLK

STRIPE = 632
STRIPE_LAST_OFF = (NS - 1) * STRIPE
STRIPE_LAST = N_NODES - STRIPE_LAST_OFF

_mesh = plsc.VectorSubcoreMesh(core_axis_name="c", subcore_axis_name="s")


def _build_row_phase(with_degrees):
    outs = (jax.ShapeDtypeStruct((NC, N_NODES, F), jnp.float32),)
    scratch = [
        pltpu.VMEM((2, BLK, CHUNK), jnp.int32),
        pltpu.VMEM((2, BLK, CHUNK), jnp.int32),
        pltpu.VMEM((2, CHUNK, F), jnp.float32),
        pltpu.VMEM_SHARED((N_NODES, F), jnp.float32),
        pltpu.SemaphoreType.DMA,
        pltpu.SemaphoreType.DMA,
    ]
    if with_degrees:
        outs = outs + (jax.ShapeDtypeStruct((N_NODES,), jnp.float32),) * 4
        scratch += [
            pltpu.VMEM((BLK, CHUNK), jnp.float32),
            pltpu.VMEM((CHUNK,), jnp.float32),
            pltpu.VMEM_SHARED((N_NODES,), jnp.float32),
            pltpu.VMEM_SHARED((N_NODES,), jnp.float32),
            pltpu.SemaphoreType.DMA,
            pltpu.SemaphoreType.DMA,
            pltpu.SemaphoreType.DMA,
        ]

    def body(*refs):
        if with_degrees:
            (srcidx_hbm, dstidx_hbm, table_hbm, zeros2_hbm, w_hbm, zeros1_hbm,
             out_hbm, d0_out, d1_out, b0_out, b1_out,
             sidx_v, didx_v, rows_v, acc_sh, semg, semi,
             wval_v, ones_v, dacc_sh, bacc_sh, semw, semd, semb) = refs
        else:
            (srcidx_hbm, dstidx_hbm, table_hbm, zeros2_hbm, out_hbm,
             sidx_v, didx_v, rows_v, acc_sh, semg, semi) = refs

        cid = lax.axis_index("c")
        sid = lax.axis_index("s")
        wid = cid * NS + sid

        @pl.when(sid < NS - 1)
        def _zero_a():
            off = pl.multiple_of(sid * STRIPE, 8)
            pltpu.sync_copy(zeros2_hbm.at[pl.ds(off, STRIPE)],
                            acc_sh.at[pl.ds(off, STRIPE)])

        @pl.when(sid == NS - 1)
        def _zero_b():
            pltpu.sync_copy(zeros2_hbm.at[pl.ds(STRIPE_LAST_OFF, STRIPE_LAST)],
                            acc_sh.at[pl.ds(STRIPE_LAST_OFF, STRIPE_LAST)])

        if with_degrees:
            @pl.when(sid == 0)
            def _zero_d():
                pltpu.sync_copy(zeros1_hbm, dacc_sh)

            @pl.when(sid == 1)
            def _zero_bdeg():
                pltpu.sync_copy(zeros1_hbm, bacc_sh)

            for i in range((CHUNK + 15) // 16):
                ones_v[pl.ds(min(16 * i, CHUNK - 16), 16)] = jnp.full(
                    (16,), 1.0, jnp.float32)

        pltpu.async_copy(srcidx_hbm.at[wid, pl.ds(0, BLK)], sidx_v.at[0], semi)
        pltpu.async_copy(dstidx_hbm.at[wid, pl.ds(0, BLK)], didx_v.at[0], semi)

        plsc.subcore_barrier()

        def outer(b, carry):
            pb = b % 2
            pltpu.make_async_copy(srcidx_hbm.at[wid, pl.ds(0, BLK)],
                                  sidx_v.at[pb], semi).wait()
            pltpu.make_async_copy(dstidx_hbm.at[wid, pl.ds(0, BLK)],
                                  didx_v.at[pb], semi).wait()

            @pl.when(b < NBLK - 1)
            def _fire_next_block():
                off = pl.multiple_of((b + 1) * BLK, 8)
                pltpu.async_copy(srcidx_hbm.at[wid, pl.ds(off, BLK)],
                                 sidx_v.at[(b + 1) % 2], semi)
                pltpu.async_copy(dstidx_hbm.at[wid, pl.ds(off, BLK)],
                                 didx_v.at[(b + 1) % 2], semi)

            pltpu.async_copy(table_hbm.at[sidx_v.at[pb, 0]], rows_v.at[0],
                             semg)
            if with_degrees:
                pltpu.async_copy(w_hbm.at[didx_v.at[pb, 0]], wval_v.at[0],
                                 semw)

            def inner(j, c2):
                @pl.when(j < BLK - 1)
                def _fire_next():
                    pltpu.async_copy(table_hbm.at[sidx_v.at[pb, j + 1]],
                                     rows_v.at[(j + 1) % 2], semg)
                    if with_degrees:
                        pltpu.async_copy(w_hbm.at[didx_v.at[pb, j + 1]],
                                         wval_v.at[j + 1], semw)
                pltpu.make_async_copy(table_hbm.at[sidx_v.at[pb, 0]],
                                      rows_v.at[j % 2], semg).wait()
                pltpu.sync_copy(rows_v.at[j % 2],
                                acc_sh.at[didx_v.at[pb, j]], add=True)
                if with_degrees:
                    pltpu.make_async_copy(w_hbm.at[didx_v.at[pb, 0]],
                                          wval_v.at[0], semw).wait()
                    pltpu.async_copy(wval_v.at[j],
                                     dacc_sh.at[sidx_v.at[pb, j]], semd,
                                     add=True)
                    pltpu.async_copy(ones_v, bacc_sh.at[didx_v.at[pb, j]],
                                     semb, add=True)
                return c2
            lax.fori_loop(0, BLK, inner, 0)

            if with_degrees:
                def draind(j, c3):
                    pltpu.make_async_copy(
                        wval_v.at[0], dacc_sh.at[sidx_v.at[0, 0]],
                        semd).wait()
                    return c3
                lax.fori_loop(0, BLK, draind, 0)
            return carry
        lax.fori_loop(0, NBLK, outer, 0)

        if with_degrees:
            def drainb(j, c4):
                pltpu.make_async_copy(ones_v, bacc_sh.at[didx_v.at[0, 0]],
                                      semb).wait()
                return c4
            lax.fori_loop(0, ROWS_PER_TILE, drainb, 0)

        plsc.subcore_barrier()

        @pl.when(sid < NS - 1)
        def _write_a():
            off = pl.multiple_of(sid * STRIPE, 8)
            pltpu.sync_copy(acc_sh.at[pl.ds(off, STRIPE)],
                            out_hbm.at[cid, pl.ds(off, STRIPE)])

        @pl.when(sid == NS - 1)
        def _write_b():
            pltpu.sync_copy(acc_sh.at[pl.ds(STRIPE_LAST_OFF, STRIPE_LAST)],
                            out_hbm.at[cid, pl.ds(STRIPE_LAST_OFF,
                                                  STRIPE_LAST)])

        if with_degrees:
            @pl.when(jnp.logical_and(sid == 0, cid == 0))
            def _write_d0():
                pltpu.sync_copy(dacc_sh, d0_out)

            @pl.when(jnp.logical_and(sid == 0, cid == 1))
            def _write_d1():
                pltpu.sync_copy(dacc_sh, d1_out)

            @pl.when(jnp.logical_and(sid == 1, cid == 0))
            def _write_b0():
                pltpu.sync_copy(bacc_sh, b0_out)

            @pl.when(jnp.logical_and(sid == 1, cid == 1))
            def _write_b1():
                pltpu.sync_copy(bacc_sh, b1_out)

    return pl.kernel(body, out_type=outs, mesh=_mesh, scratch_types=scratch)


_row_phase_deg = _build_row_phase(True)
_row_phase = _build_row_phase(False)


def _matmul_body(x_ref, w_ref, o_ref):
    o_ref[...] = jnp.dot(x_ref[...], w_ref[...],
                         preferred_element_type=jnp.float32)


def _tc_matmul(x, w):
    return pl.pallas_call(
        _matmul_body,
        out_shape=jax.ShapeDtypeStruct((N_NODES, F), jnp.float32),
    )(x, w)


def _combine_body(p_ref, dega_ref, degb_ref, bias_ref, o_ref):
    d = dega_ref[...] + degb_ref[...]
    inv = jnp.where(d > 0, 1.0 / jnp.where(d > 0, d, 1.0), 0.0)
    o_ref[...] = (p_ref[0] + p_ref[1]) * inv + bias_ref[...]


def _tc_combine(partials, dega, degb, bias_row):
    return pl.pallas_call(
        _combine_body,
        out_shape=jax.ShapeDtypeStruct((N_NODES, F), jnp.float32),
    )(partials, dega, degb, bias_row)


def kernel(x, hyperedge_index, hyperedge_weight, W_lin, bias):
    node_idx = hyperedge_index[0].astype(jnp.int32)
    edge_idx = hyperedge_index[1].astype(jnp.int32)
    nidx = node_idx.reshape(NC * NS, ROWS_PER_TILE, CHUNK)
    eidx = edge_idx.reshape(NC * NS, ROWS_PER_TILE, CHUNK)
    zeros1 = jnp.zeros((N_NODES,), jnp.float32)
    zeros2 = jnp.zeros((N_NODES, F), jnp.float32)
    zero_bias = jnp.zeros((1, F), jnp.float32)

    xl = _tc_matmul(x, W_lin)

    p, d0, d1, b0, b1 = _row_phase_deg(
        nidx, eidx, xl, zeros2, hyperedge_weight.astype(jnp.float32), zeros1)
    edge_out = _tc_combine(p, b0[:, None], b1[:, None], zero_bias)

    (q,) = _row_phase(eidx, nidx, edge_out, zeros2)
    return _tc_combine(q, d0[:, None], d1[:, None],
                       bias[None, :].astype(jnp.float32))

# --- scband reference (transcript-rebuilt; emitter-appended) ---
"""Pipeline reference for scband-py-ghypergraph-conv-wrapper-7060926234637 (READ-ONLY COPY).

The authoritative reference and input builder live on the scoring server;
editing this copy changes nothing except your own understanding.
"""

import jax, jax.numpy as jnp
import numpy as np

N_NODES = 10000
N_INCIDENCES = 320000
N_HYPEREDGES = 10000
F_IN = 128
F_OUT = 128


def setup_inputs(seed: int = 0) -> dict:
    key = jax.random.key(seed)
    k1, k2, k3, k4 = jax.random.split(key, 4)
    x = jax.random.normal(k1, (N_NODES, F_IN), dtype=jnp.float32)
    hyperedge_index = jax.random.randint(k2, (2, N_INCIDENCES), 0, N_HYPEREDGES)
    hyperedge_weight = jax.random.uniform(k3, (N_HYPEREDGES,), dtype=jnp.float32)
    # Learned params of PyG HypergraphConv (use_attention=False, heads=1, concat=True):
    #   lin: Linear(in_channels, heads*out_channels, bias=False), plus separate bias param.
    W_lin = jax.random.normal(k4, (F_IN, F_OUT), dtype=jnp.float32) * (1.0 / np.sqrt(F_IN))
    bias = jnp.zeros((F_OUT,), dtype=jnp.float32)
    return {"x": x, "hyperedge_index": hyperedge_index, "hyperedge_weight": hyperedge_weight,
            "W_lin": W_lin, "bias": bias}


def reference(x, hyperedge_index, hyperedge_weight, W_lin, bias):
    # Faithful port of torch_geometric.nn.HypergraphConv.forward (use_attention=False).
    # out = D^{-1} H B^{-1} H^T (X @ Theta) + bias, where
    #   D[v] = sum_{e: v in e} w_e (node degree weighted by hyperedge_weight)
    #   B[e] = |e| (hyperedge degree)
    num_nodes = x.shape[0]
    num_edges = hyperedge_weight.shape[0]
    node_idx = hyperedge_index[0]
    edge_idx = hyperedge_index[1]

    xl = x @ W_lin  # self.lin(x)

    D = jax.ops.segment_sum(hyperedge_weight[edge_idx], node_idx, num_segments=num_nodes)
    Dinv = jnp.where(D > 0, 1.0 / jnp.where(D > 0, D, 1.0), 0.0)

    Bdeg = jax.ops.segment_sum(jnp.ones((edge_idx.shape[0],), dtype=xl.dtype), edge_idx,
                               num_segments=num_edges)
    Binv = jnp.where(Bdeg > 0, 1.0 / jnp.where(Bdeg > 0, Bdeg, 1.0), 0.0)

    # propagate 1: node -> hyperedge, message = B_inv[e] * x[v], aggregated at e
    edge_out = jax.ops.segment_sum(Binv[edge_idx][:, None] * xl[node_idx], edge_idx,
                                   num_segments=num_edges)
    # propagate 2 (flipped): hyperedge -> node, message = D_inv[v] * edge_out[e], aggregated at v
    node_out = jax.ops.segment_sum(Dinv[node_idx][:, None] * edge_out[edge_idx], node_idx,
                                   num_segments=num_nodes)

    # concat=True with heads=1: view(-1, heads*out_channels) is identity, then add bias
    return node_out + bias

if __name__ == "__main__":
    import jax
    _d = setup_inputs()
    print(jax.jit(kernel)(*tuple(_d.values())))

</pallas_src>

<mosaic_0001>
#map = affine_map<(d0, d1) -> (0, 0, 0)>
#map1 = affine_map<(d0, d1) -> (0, 0)>
#map2 = affine_map<(d0, d1) -> (0)>
module attributes {stable_mosaic.version = 14 : i64} {
  func.func @body(%arg0: i32, %arg1: i32, %arg2: memref<32x80x125xi32, #tpu.memory_space<hbm>>, %arg3: memref<32x80x125xi32, #tpu.memory_space<hbm>>, %arg4: memref<10000x128xf32, #tpu.memory_space<hbm>>, %arg5: memref<10000x128xf32, #tpu.memory_space<hbm>>, %arg6: memref<10000xf32, #tpu.memory_space<hbm>>, %arg7: memref<10000xf32, #tpu.memory_space<hbm>>, %arg8: memref<2x10000x128xf32, #tpu.memory_space<hbm>>, %arg9: memref<10000xf32, #tpu.memory_space<hbm>>, %arg10: memref<10000xf32, #tpu.memory_space<hbm>>, %arg11: memref<10000xf32, #tpu.memory_space<hbm>>, %arg12: memref<10000xf32, #tpu.memory_space<hbm>>, %arg13: memref<2x16x125xi32, #tpu.memory_space<vmem>>, %arg14: memref<2x16x125xi32, #tpu.memory_space<vmem>>, %arg15: memref<2x125x128xf32, #tpu.memory_space<vmem>>, %arg16: memref<10000x128xf32, #tpu.memory_space<vmem_shared>>, %arg17: memref<!tpu.dma_semaphore, #tpu.memory_space<semaphore_mem>>, %arg18: memref<!tpu.dma_semaphore, #tpu.memory_space<semaphore_mem>>, %arg19: memref<16x125xf32, #tpu.memory_space<vmem>>, %arg20: memref<125xf32, #tpu.memory_space<vmem>>, %arg21: memref<10000xf32, #tpu.memory_space<vmem_shared>>, %arg22: memref<10000xf32, #tpu.memory_space<vmem_shared>>, %arg23: memref<!tpu.dma_semaphore, #tpu.memory_space<semaphore_mem>>, %arg24: memref<!tpu.dma_semaphore, #tpu.memory_space<semaphore_mem>>, %arg25: memref<!tpu.dma_semaphore, #tpu.memory_space<semaphore_mem>>) attributes {dimension_semantics = [#tpu.dimension_semantics<core_parallel>, #tpu.dimension_semantics<subcore_parallel>], iteration_bounds = array<i64: 2, 16>, scalar_prefetch = 0 : i64, scratch_operands = 13 : i64, tpu.core_type = #tpu.core_type<sc_vector_subcore>, window_params = [{transform_indices = #map}, {transform_indices = #map}, {transform_indices = #map1}, {transform_indices = #map1}, {transform_indices = #map2}, {transform_indices = #map2}, {transform_indices = #map}, {transform_indices = #map2}, {transform_indices = #map2}, {transform_indices = #map2}, {transform_indices = #map2}]} {
    %mul3A = arith.constant 16 : i32
    %mul3A_0 = arith.muli %arg0, %mul3A : i32
    %add3A = arith.addi %mul3A_0, %arg1 : i32
    %lt3A = arith.constant 15 : i32
    %lt3A_1 = arith.cmpi slt, %arg1, %lt3A : i32
    %convert_element_type3A = arith.extui %lt3A_1 : i1 to i32
    %cond3A = arith.constant 0 : i32
    %cond3A_2 = arith.cmpi ne, %convert_element_type3A, %cond3A : i32
    scf.if %cond3A_2 {
      %mul3A_149 = arith.constant 632 : i32
      %mul3A_150 = arith.muli %arg1, %mul3A_149 : i32
      %multiple_of3A = tpu.assume_multiple %mul3A_150, 8 : i32
      "tpu.region"() ({
        %run_scoped3A = tpu.sem_alloc : memref<!tpu.dma_semaphore, #tpu.memory_space<semaphore_mem>>
        %dma_start3A_151 = arith.constant 0 : i32
        %dma_start3A_152 = tpu.memref_slice %arg16[%multiple_of3A, %dma_start3A_151] : memref<10000x128xf32, #tpu.memory_space<vmem_shared>> -> memref<632x128xf32, #tpu.memory_space<vmem_shared>>
        %dma_start3A_153 = arith.constant 0 : i32
        %dma_start3A_154 = tpu.memref_slice %arg5[%multiple_of3A, %dma_start3A_153] : memref<10000x128xf32, #tpu.memory_space<hbm>> -> memref<632x128xf32, #tpu.memory_space<hbm>>
        tpu.enqueue_dma source(%dma_start3A_154 : memref<632x128xf32, #tpu.memory_space<hbm>>) target(%dma_start3A_152 : memref<632x128xf32, #tpu.memory_space<vmem_shared>>) target_semaphore(%run_scoped3A : memref<!tpu.dma_semaphore, #tpu.memory_space<semaphore_mem>>)
        %dma_wait3A = arith.constant 0 : i32
        %dma_wait3A_155 = tpu.memref_slice %arg16[%multiple_of3A, %dma_wait3A] : memref<10000x128xf32, #tpu.memory_space<vmem_shared>> -> memref<632x128xf32, #tpu.memory_space<vmem_shared>>
        %dma_wait3A_156 = arith.constant 0 : i32
        %dma_wait3A_157 = tpu.memref_slice %arg5[%multiple_of3A, %dma_wait3A_156] : memref<10000x128xf32, #tpu.memory_space<hbm>> -> memref<632x128xf32, #tpu.memory_space<hbm>>
        tpu.wait_dma2 semaphore(%run_scoped3A : memref<!tpu.dma_semaphore, #tpu.memory_space<semaphore_mem>>) src(%dma_wait3A_157 : memref<632x128xf32, #tpu.memory_space<hbm>>) dst(%dma_wait3A_155 : memref<632x128xf32, #tpu.memory_space<vmem_shared>>)
        tpu.yield
      }) : () -> ()
    } else {
    }
    %eq3A = arith.constant 15 : i32
    %eq3A_3 = arith.cmpi eq, %arg1, %eq3A : i32
    %convert_element_type3A_4 = arith.extui %eq3A_3 : i1 to i32
    %cond3A_5 = arith.constant 0 : i32
    %cond3A_6 = arith.cmpi ne, %convert_element_type3A_4, %cond3A_5 : i32
    scf.if %cond3A_6 {
      "tpu.region"() ({
        %run_scoped3A = tpu.sem_alloc : memref<!tpu.dma_semaphore, #tpu.memory_space<semaphore_mem>>
        %dma_start3A_149 = arith.constant 9480 : i32
        %dma_start3A_150 = arith.constant 0 : i32
        %dma_start3A_151 = tpu.memref_slice %arg16[%dma_start3A_149, %dma_start3A_150] : memref<10000x128xf32, #tpu.memory_space<vmem_shared>> -> memref<520x128xf32, #tpu.memory_space<vmem_shared>>
        %dma_start3A_152 = arith.constant 9480 : i32
        %dma_start3A_153 = arith.constant 0 : i32
        %dma_start3A_154 = tpu.memref_slice %arg5[%dma_start3A_152, %dma_start3A_153] : memref<10000x128xf32, #tpu.memory_space<hbm>> -> memref<520x128xf32, #tpu.memory_space<hbm>>
        tpu.enqueue_dma source(%dma_start3A_154 : memref<520x128xf32, #tpu.memory_space<hbm>>) target(%dma_start3A_151 : memref<520x128xf32, #tpu.memory_space<vmem_shared>>) target_semaphore(%run_scoped3A : memref<!tpu.dma_semaphore, #tpu.memory_space<semaphore_mem>>)
        %dma_wait3A = arith.constant 9480 : i32
        %dma_wait3A_155 = arith.constant 0 : i32
        %dma_wait3A_156 = tpu.memref_slice %arg16[%dma_wait3A, %dma_wait3A_155] : memref<10000x128xf32, #tpu.memory_space<vmem_shared>> -> memref<520x128xf32, #tpu.memory_space<vmem_shared>>
        %dma_wait3A_157 = arith.constant 9480 : i32
        %dma_wait3A_158 = arith.constant 0 : i32
        %dma_wait3A_159 = tpu.memref_slice %arg5[%dma_wait3A_157, %dma_wait3A_158] : memref<10000x128xf32, #tpu.memory_space<hbm>> -> memref<520x128xf32, #tpu.memory_space<hbm>>
        tpu.wait_dma2 semaphore(%run_scoped3A : memref<!tpu.dma_semaphore, #tpu.memory_space<semaphore_mem>>) src(%dma_wait3A_159 : memref<520x128xf32, #tpu.memory_space<hbm>>) dst(%dma_wait3A_156 : memref<520x128xf32, #tpu.memory_space<vmem_shared>>)
        tpu.yield
      }) : () -> ()
    } else {
    }
    %eq3A_7 = arith.constant 0 : i32
    %eq3A_8 = arith.cmpi eq, %arg1, %eq3A_7 : i32
    %convert_element_type3A_9 = arith.extui %eq3A_8 : i1 to i32
    %cond3A_10 = arith.constant 0 : i32
    %cond3A_11 = arith.cmpi ne, %convert_element_type3A_9, %cond3A_10 : i32
    scf.if %cond3A_11 {
      "tpu.region"() ({
        %run_scoped3A = tpu.sem_alloc : memref<!tpu.dma_semaphore, #tpu.memory_space<semaphore_mem>>
        tpu.enqueue_dma source(%arg7 : memref<10000xf32, #tpu.memory_space<hbm>>) target(%arg21 : memref<10000xf32, #tpu.memory_space<vmem_shared>>) target_semaphore(%run_scoped3A : memref<!tpu.dma_semaphore, #tpu.memory_space<semaphore_mem>>)
        tpu.wait_dma2 semaphore(%run_scoped3A : memref<!tpu.dma_semaphore, #tpu.memory_space<semaphore_mem>>) src(%arg7 : memref<10000xf32, #tpu.memory_space<hbm>>) dst(%arg21 : memref<10000xf32, #tpu.memory_space<vmem_shared>>)
        tpu.yield
      }) : () -> ()
    } else {
    }
    %eq3A_12 = arith.constant 1 : i32
    %eq3A_13 = arith.cmpi eq, %arg1, %eq3A_12 : i32
    %convert_element_type3A_14 = arith.extui %eq3A_13 : i1 to i32
    %cond3A_15 = arith.constant 0 : i32
    %cond3A_16 = arith.cmpi ne, %convert_element_type3A_14, %cond3A_15 : i32
    scf.if %cond3A_16 {
      "tpu.region"() ({
        %run_scoped3A = tpu.sem_alloc : memref<!tpu.dma_semaphore, #tpu.memory_space<semaphore_mem>>
        tpu.enqueue_dma source(%arg7 : memref<10000xf32, #tpu.memory_space<hbm>>) target(%arg22 : memref<10000xf32, #tpu.memory_space<vmem_shared>>) target_semaphore(%run_scoped3A : memref<!tpu.dma_semaphore, #tpu.memory_space<semaphore_mem>>)
        tpu.wait_dma2 semaphore(%run_scoped3A : memref<!tpu.dma_semaphore, #tpu.memory_space<semaphore_mem>>) src(%arg7 : memref<10000xf32, #tpu.memory_space<hbm>>) dst(%arg22 : memref<10000xf32, #tpu.memory_space<vmem_shared>>)
        tpu.yield
      }) : () -> ()
    } else {
    }
    %broadcast_in_dim3A = arith.constant 1.000000e+00 : f32
    %broadcast_in_dim3A_17 = vector.broadcast %broadcast_in_dim3A : f32 to vector<16xf32>
    %swap3A = arith.constant 0 : index
    %swap3A_18 = tpu.vector_load %arg20[%swap3A] {strides = array<i32>} : memref<125xf32, #tpu.memory_space<vmem>>, vector<16xf32>,
    %swap3A_19 = vector.shape_cast %swap3A_18 : vector<16xf32> to vector<16xf32>
    %swap3A_20 = vector.shape_cast %broadcast_in_dim3A_17 : vector<16xf32> to vector<16xf32>
    tpu.vector_store %arg20[%swap3A], %swap3A_20 {strides = array<i32>} : memref<125xf32, #tpu.memory_space<vmem>>, vector<16xf32>,
    %broadcast_in_dim3A_21 = arith.constant 1.000000e+00 : f32
    %broadcast_in_dim3A_22 = vector.broadcast %broadcast_in_dim3A_21 : f32 to vector<16xf32>
    %swap3A_23 = arith.constant 16 : index
    %swap3A_24 = tpu.vector_load %arg20[%swap3A_23] {strides = array<i32>} : memref<125xf32, #tpu.memory_space<vmem>>, vector<16xf32>,
    %swap3A_25 = vector.shape_cast %swap3A_24 : vector<16xf32> to vector<16xf32>
    %swap3A_26 = vector.shape_cast %broadcast_in_dim3A_22 : vector<16xf32> to vector<16xf32>
    tpu.vector_store %arg20[%swap3A_23], %swap3A_26 {strides = array<i32>} : memref<125xf32, #tpu.memory_space<vmem>>, vector<16xf32>,
    %broadcast_in_dim3A_27 = arith.constant 1.000000e+00 : f32
    %broadcast_in_dim3A_28 = vector.broadcast %broadcast_in_dim3A_27 : f32 to vector<16xf32>
    %swap3A_29 = arith.constant 32 : index
    %swap3A_30 = tpu.vector_load %arg20[%swap3A_29] {strides = array<i32>} : memref<125xf32, #tpu.memory_space<vmem>>, vector<16xf32>,
    %swap3A_31 = vector.shape_cast %swap3A_30 : vector<16xf32> to vector<16xf32>
    %swap3A_32 = vector.shape_cast %broadcast_in_dim3A_28 : vector<16xf32> to vector<16xf32>
    tpu.vector_store %arg20[%swap3A_29], %swap3A_32 {strides = array<i32>} : memref<125xf32, #tpu.memory_space<vmem>>, vector<16xf32>,
    %broadcast_in_dim3A_33 = arith.constant 1.000000e+00 : f32
    %broadcast_in_dim3A_34 = vector.broadcast %broadcast_in_dim3A_33 : f32 to vector<16xf32>
    %swap3A_35 = arith.constant 48 : index
    %swap3A_36 = tpu.vector_load %arg20[%swap3A_35] {strides = array<i32>} : memref<125xf32, #tpu.memory_space<vmem>>, vector<16xf32>,
    %swap3A_37 = vector.shape_cast %swap3A_36 : vector<16xf32> to vector<16xf32>
    %swap3A_38 = vector.shape_cast %broadcast_in_dim3A_34 : vector<16xf32> to vector<16xf32>
    tpu.vector_store %arg20[%swap3A_35], %swap3A_38 {strides = array<i32>} : memref<125xf32, #tpu.memory_space<vmem>>, vector<16xf32>,
    %broadcast_in_dim3A_39 = arith.constant 1.000000e+00 : f32
    %broadcast_in_dim3A_40 = vector.broadcast %broadcast_in_dim3A_39 : f32 to vector<16xf32>
    %swap3A_41 = arith.constant 64 : index
    %swap3A_42 = tpu.vector_load %arg20[%swap3A_41] {strides = array<i32>} : memref<125xf32, #tpu.memory_space<vmem>>, vector<16xf32>,
    %swap3A_43 = vector.shape_cast %swap3A_42 : vector<16xf32> to vector<16xf32>
    %swap3A_44 = vector.shape_cast %broadcast_in_dim3A_40 : vector<16xf32> to vector<16xf32>
    tpu.vector_store %arg20[%swap3A_41], %swap3A_44 {strides = array<i32>} : memref<125xf32, #tpu.memory_space<vmem>>, vector<16xf32>,
    %broadcast_in_dim3A_45 = arith.constant 1.000000e+00 : f32
    %broadcast_in_dim3A_46 = vector.broadcast %broadcast_in_dim3A_45 : f32 to vector<16xf32>
    %swap3A_47 = arith.constant 80 : index
    %swap3A_48 = tpu.vector_load %arg20[%swap3A_47] {strides = array<i32>} : memref<125xf32, #tpu.memory_space<vmem>>, vector<16xf32>,
    %swap3A_49 = vector.shape_cast %swap3A_48 : vector<16xf32> to vector<16xf32>
    %swap3A_50 = vector.shape_cast %broadcast_in_dim3A_46 : vector<16xf32> to vector<16xf32>
    tpu.vector_store %arg20[%swap3A_47], %swap3A_50 {strides = array<i32>} : memref<125xf32, #tpu.memory_space<vmem>>, vector<16xf32>,
    %broadcast_in_dim3A_51 = arith.constant 1.000000e+00 : f32
    %broadcast_in_dim3A_52 = vector.broadcast %broadcast_in_dim3A_51 : f32 to vector<16xf32>
    %swap3A_53 = arith.constant 96 : index
    %swap3A_54 = tpu.vector_load %arg20[%swap3A_53] {strides = array<i32>} : memref<125xf32, #tpu.memory_space<vmem>>, vector<16xf32>,
    %swap3A_55 = vector.shape_cast %swap3A_54 : vector<16xf32> to vector<16xf32>
    %swap3A_56 = vector.shape_cast %broadcast_in_dim3A_52 : vector<16xf32> to vector<16xf32>
    tpu.vector_store %arg20[%swap3A_53], %swap3A_56 {strides = array<i32>} : memref<125xf32, #tpu.memory_space<vmem>>, vector<16xf32>,
    %broadcast_in_dim3A_57 = arith.constant 1.000000e+00 : f32
    %broadcast_in_dim3A_58 = vector.broadcast %broadcast_in_dim3A_57 : f32 to vector<16xf32>
    %swap3A_59 = arith.constant 109 : index
    %swap3A_60 = tpu.vector_load %arg20[%swap3A_59] {strides = array<i32>} : memref<125xf32, #tpu.memory_space<vmem>>, vector<16xf32>,
    %swap3A_61 = vector.shape_cast %swap3A_60 : vector<16xf32> to vector<16xf32>
    %swap3A_62 = vector.shape_cast %broadcast_in_dim3A_58 : vector<16xf32> to vector<16xf32>
    tpu.vector_store %arg20[%swap3A_59], %swap3A_62 {strides = array<i32>} : memref<125xf32, #tpu.memory_space<vmem>>, vector<16xf32>,
    %dma_start3A = arith.constant 0 : i32
    %dma_start3A_63 = arith.constant 0 : i32
    %dma_start3A_64 = arith.constant 0 : i32
    %dma_start3A_65 = tpu.memref_slice %arg13[%dma_start3A, %dma_start3A_63, %dma_start3A_64] : memref<2x16x125xi32, #tpu.memory_space<vmem>> -> memref<1x16x125xi32, #tpu.memory_space<vmem>>
    %dma_start3A_66 = tpu.memref_squeeze %dma_start3A_65 : memref<1x16x125xi32, #tpu.memory_space<vmem>> -> memref<16x125xi32, #tpu.memory_space<vmem>>
    %dma_start3A_67 = arith.constant 0 : i32
    %dma_start3A_68 = arith.constant 0 : i32
    %dma_start3A_69 = tpu.memref_slice %arg2[%add3A, %dma_start3A_67, %dma_start3A_68] : memref<32x80x125xi32, #tpu.memory_space<hbm>> -> memref<1x16x125xi32, #tpu.memory_space<hbm>>
    %dma_start3A_70 = tpu.memref_squeeze %dma_start3A_69 : memref<1x16x125xi32, #tpu.memory_space<hbm>> -> memref<16x125xi32, #tpu.memory_space<hbm>>
    %dma_start3A_71 = arith.constant 0 : i32
    %dma_start3A_72 = arith.constant 0 : i32
    %dma_start3A_73 = tpu.memref_slice %arg13[%dma_start3A, %dma_start3A_71, %dma_start3A_72] : memref<2x16x125xi32, #tpu.memory_space<vmem>> -> memref<1x16x125xi32, #tpu.memory_space<vmem>>
    %dma_start3A_74 = tpu.memref_squeeze %dma_start3A_73 : memref<1x16x125xi32, #tpu.memory_space<vmem>> -> memref<16x125xi32, #tpu.memory_space<vmem>>
    %dma_start3A_75 = arith.constant 0 : i32
    %dma_start3A_76 = arith.constant 0 : i32
    %dma_start3A_77 = tpu.memref_slice %arg2[%add3A, %dma_start3A_75, %dma_start3A_76] : memref<32x80x125xi32, #tpu.memory_space<hbm>> -> memref<1x16x125xi32, #tpu.memory_space<hbm>>
    %dma_start3A_78 = tpu.memref_squeeze %dma_start3A_77 : memref<1x16x125xi32, #tpu.memory_space<hbm>> -> memref<16x125xi32, #tpu.memory_space<hbm>>
    tpu.enqueue_dma source(%dma_start3A_78 : memref<16x125xi32, #tpu.memory_space<hbm>>) target(%dma_start3A_74 : memref<16x125xi32, #tpu.memory_space<vmem>>) target_semaphore(%arg18 : memref<!tpu.dma_semaphore, #tpu.memory_space<semaphore_mem>>)
    %dma_start3A_79 = arith.constant 0 : i32
    %dma_start3A_80 = arith.constant 0 : i32
    %dma_start3A_81 = arith.constant 0 : i32
    %dma_start3A_82 = tpu.memref_slice %arg14[%dma_start3A_79, %dma_start3A_80, %dma_start3A_81] : memref<2x16x125xi32, #tpu.memory_space<vmem>> -> memref<1x16x125xi32, #tpu.memory_space<vmem>>
    %dma_start3A_83 = tpu.memref_squeeze %dma_start3A_82 : memref<1x16x125xi32, #tpu.memory_space<vmem>> -> memref<16x125xi32, #tpu.memory_space<vmem>>
    %dma_start3A_84 = arith.constant 0 : i32
    %dma_start3A_85 = arith.constant 0 : i32
    %dma_start3A_86 = tpu.memref_slice %arg3[%add3A, %dma_start3A_84, %dma_start3A_85] : memref<32x80x125xi32, #tpu.memory_space<hbm>> -> memref<1x16x125xi32, #tpu.memory_space<hbm>>
    %dma_start3A_87 = tpu.memref_squeeze %dma_start3A_86 : memref<1x16x125xi32, #tpu.memory_space<hbm>> -> memref<16x125xi32, #tpu.memory_space<hbm>>
    %dma_start3A_88 = arith.constant 0 : i32
    %dma_start3A_89 = arith.constant 0 : i32
    %dma_start3A_90 = tpu.memref_slice %arg14[%dma_start3A_79, %dma_start3A_88, %dma_start3A_89] : memref<2x16x125xi32, #tpu.memory_space<vmem>> -> memref<1x16x125xi32, #tpu.memory_space<vmem>>
    %dma_start3A_91 = tpu.memref_squeeze %dma_start3A_90 : memref<1x16x125xi32, #tpu.memory_space<vmem>> -> memref<16x125xi32, #tpu.memory_space<vmem>>
    %dma_start3A_92 = arith.constant 0 : i32
    %dma_start3A_93 = arith.constant 0 : i32
    %dma_start3A_94 = tpu.memref_slice %arg3[%add3A, %dma_start3A_92, %dma_start3A_93] : memref<32x80x125xi32, #tpu.memory_space<hbm>> -> memref<1x16x125xi32, #tpu.memory_space<hbm>>
    %dma_start3A_95 = tpu.memref_squeeze %dma_start3A_94 : memref<1x16x125xi32, #tpu.memory_space<hbm>> -> memref<16x125xi32, #tpu.memory_space<hbm>>
    tpu.enqueue_dma source(%dma_start3A_95 : memref<16x125xi32, #tpu.memory_space<hbm>>) target(%dma_start3A_91 : memref<16x125xi32, #tpu.memory_space<vmem>>) target_semaphore(%arg18 : memref<!tpu.dma_semaphore, #tpu.memory_space<semaphore_mem>>)
    %barrier3A = arith.constant 0 : index
    tpu.barrier barrier_id(%barrier3A)
    %scan3A = arith.constant 0 : i32
    %scan3A_96 = arith.constant 0 : i32
    %scan3A_97 = arith.constant 5 : i32
    %scan3A_98 = arith.addi %scan3A_96, %scan3A_97 : i32
    %scan3A_99 = arith.constant 1 : i32
    scf.for %scan3A_149 = %scan3A_96 to %scan3A_98 step %scan3A_99  : i32 {
      %jit3A = arith.constant 2 : i32
      %eq3A_150 = arith.constant 0 : i32
      %eq3A_151 = arith.cmpi eq, %jit3A, %eq3A_150 : i32
      %jit3A_152 = arith.constant 1 : i32
      %select_n3A = arith.select %eq3A_151, %jit3A_152, %jit3A : i32
      %rem3A = arith.remsi %scan3A_149, %select_n3A : i32
      %ne3A = arith.constant 0 : i32
      %ne3A_153 = arith.cmpi ne, %rem3A, %ne3A : i32
      %lt3A_154 = arith.constant 0 : i32
      %lt3A_155 = arith.cmpi slt, %rem3A, %lt3A_154 : i32
      %lt3A_156 = arith.constant 0 : i32
      %lt3A_157 = arith.cmpi slt, %select_n3A, %lt3A_156 : i32
      %ne3A_158 = arith.xori %lt3A_155, %lt3A_157 : i1
      %and3A_159 = arith.andi %ne3A_158, %ne3A_153 : i1
      %add3A_160 = arith.addi %rem3A, %select_n3A : i32
      %select_n3A_161 = arith.select %and3A_159, %add3A_160, %rem3A : i32
      %dma_wait3A = arith.constant 0 : i32
      %dma_wait3A_162 = arith.constant 0 : i32
      %dma_wait3A_163 = tpu.memref_slice %arg13[%select_n3A_161, %dma_wait3A, %dma_wait3A_162] : memref<2x16x125xi32, #tpu.memory_space<vmem>> -> memref<1x16x125xi32, #tpu.memory_space<vmem>>
      %dma_wait3A_164 = tpu.memref_squeeze %dma_wait3A_163 : memref<1x16x125xi32, #tpu.memory_space<vmem>> -> memref<16x125xi32, #tpu.memory_space<vmem>>
      %dma_wait3A_165 = arith.constant 0 : i32
      %dma_wait3A_166 = arith.constant 0 : i32
      %dma_wait3A_167 = tpu.memref_slice %arg2[%add3A, %dma_wait3A_165, %dma_wait3A_166] : memref<32x80x125xi32, #tpu.memory_space<hbm>> -> memref<1x16x125xi32, #tpu.memory_space<hbm>>
      %dma_wait3A_168 = tpu.memref_squeeze %dma_wait3A_167 : memref<1x16x125xi32, #tpu.memory_space<hbm>> -> memref<16x125xi32, #tpu.memory_space<hbm>>
      %dma_wait3A_169 = arith.constant 0 : i32
      %dma_wait3A_170 = arith.constant 0 : i32
      %dma_wait3A_171 = tpu.memref_slice %arg13[%select_n3A_161, %dma_wait3A_169, %dma_wait3A_170] : memref<2x16x125xi32, #tpu.memory_space<vmem>> -> memref<1x16x125xi32, #tpu.memory_space<vmem>>
      %dma_wait3A_172 = tpu.memref_squeeze %dma_wait3A_171 : memref<1x16x125xi32, #tpu.memory_space<vmem>> -> memref<16x125xi32, #tpu.memory_space<vmem>>
      %dma_wait3A_173 = arith.constant 0 : i32
      %dma_wait3A_174 = arith.constant 0 : i32
      %dma_wait3A_175 = tpu.memref_slice %arg2[%add3A, %dma_wait3A_173, %dma_wait3A_174] : memref<32x80x125xi32, #tpu.memory_space<hbm>> -> memref<1x16x125xi32, #tpu.memory_space<hbm>>
      %dma_wait3A_176 = tpu.memref_squeeze %dma_wait3A_175 : memref<1x16x125xi32, #tpu.memory_space<hbm>> -> memref<16x125xi32, #tpu.memory_space<hbm>>
      tpu.wait_dma2 semaphore(%arg18 : memref<!tpu.dma_semaphore, #tpu.memory_space<semaphore_mem>>) src(%dma_wait3A_176 : memref<16x125xi32, #tpu.memory_space<hbm>>) dst(%dma_wait3A_172 : memref<16x125xi32, #tpu.memory_space<vmem>>)
      %dma_wait3A_177 = arith.constant 0 : i32
      %dma_wait3A_178 = arith.constant 0 : i32
      %dma_wait3A_179 = tpu.memref_slice %arg14[%select_n3A_161, %dma_wait3A_177, %dma_wait3A_178] : memref<2x16x125xi32, #tpu.memory_space<vmem>> -> memref<1x16x125xi32, #tpu.memory_space<vmem>>
      %dma_wait3A_180 = tpu.memref_squeeze %dma_wait3A_179 : memref<1x16x125xi32, #tpu.memory_space<vmem>> -> memref<16x125xi32, #tpu.memory_space<vmem>>
      %dma_wait3A_181 = arith.constant 0 : i32
      %dma_wait3A_182 = arith.constant 0 : i32
      %dma_wait3A_183 = tpu.memref_slice %arg3[%add3A, %dma_wait3A_181, %dma_wait3A_182] : memref<32x80x125xi32, #tpu.memory_space<hbm>> -> memref<1x16x125xi32, #tpu.memory_space<hbm>>
      %dma_wait3A_184 = tpu.memref_squeeze %dma_wait3A_183 : memref<1x16x125xi32, #tpu.memory_space<hbm>> -> memref<16x125xi32, #tpu.memory_space<hbm>>
      %dma_wait3A_185 = arith.constant 0 : i32
      %dma_wait3A_186 = arith.constant 0 : i32
      %dma_wait3A_187 = tpu.memref_slice %arg14[%select_n3A_161, %dma_wait3A_185, %dma_wait3A_186] : memref<2x16x125xi32, #tpu.memory_space<vmem>> -> memref<1x16x125xi32, #tpu.memory_space<vmem>>
      %dma_wait3A_188 = tpu.memref_squeeze %dma_wait3A_187 : memref<1x16x125xi32, #tpu.memory_space<vmem>> -> memref<16x125xi32, #tpu.memory_space<vmem>>
      %dma_wait3A_189 = arith.constant 0 : i32
      %dma_wait3A_190 = arith.constant 0 : i32
      %dma_wait3A_191 = tpu.memref_slice %arg3[%add3A, %dma_wait3A_189, %dma_wait3A_190] : memref<32x80x125xi32, #tpu.memory_space<hbm>> -> memref<1x16x125xi32, #tpu.memory_space<hbm>>
      %dma_wait3A_192 = tpu.memref_squeeze %dma_wait3A_191 : memref<1x16x125xi32, #tpu.memory_space<hbm>> -> memref<16x125xi32, #tpu.memory_space<hbm>>
      tpu.wait_dma2 semaphore(%arg18 : memref<!tpu.dma_semaphore, #tpu.memory_space<semaphore_mem>>) src(%dma_wait3A_192 : memref<16x125xi32, #tpu.memory_space<hbm>>) dst(%dma_wait3A_188 : memref<16x125xi32, #tpu.memory_space<vmem>>)
      %lt3A_193 = arith.constant 4 : i32
      %lt3A_194 = arith.cmpi slt, %scan3A_149, %lt3A_193 : i32
      %convert_element_type3A_195 = arith.extui %lt3A_194 : i1 to i32
      %cond3A_196 = arith.constant 0 : i32
      %cond3A_197 = arith.cmpi ne, %convert_element_type3A_195, %cond3A_196 : i32
      scf.if %cond3A_197 {
        %add3A_232 = arith.constant 1 : i32
        %add3A_233 = arith.addi %scan3A_149, %add3A_232 : i32
        %mul3A_234 = arith.constant 16 : i32
        %mul3A_235 = arith.muli %add3A_233, %mul3A_234 : i32
        %multiple_of3A = tpu.assume_multiple %mul3A_235, 8 : i32
        %add3A_236 = arith.constant 1 : i32
        %add3A_237 = arith.addi %scan3A_149, %add3A_236 : i32
        %jit3A_238 = arith.constant 2 : i32
        %eq3A_239 = arith.constant 0 : i32
        %eq3A_240 = arith.cmpi eq, %jit3A_238, %eq3A_239 : i32
        %jit3A_241 = arith.constant 1 : i32
        %select_n3A_242 = arith.select %eq3A_240, %jit3A_241, %jit3A_238 : i32
        %rem3A_243 = arith.remsi %add3A_237, %select_n3A_242 : i32
        %ne3A_244 = arith.constant 0 : i32
        %ne3A_245 = arith.cmpi ne, %rem3A_243, %ne3A_244 : i32
        %lt3A_246 = arith.constant 0 : i32
        %lt3A_247 = arith.cmpi slt, %rem3A_243, %lt3A_246 : i32
        %lt3A_248 = arith.constant 0 : i32
        %lt3A_249 = arith.cmpi slt, %select_n3A_242, %lt3A_248 : i32
        %ne3A_250 = arith.xori %lt3A_247, %lt3A_249 : i1
        %and3A_251 = arith.andi %ne3A_250, %ne3A_245 : i1
        %add3A_252 = arith.addi %rem3A_243, %select_n3A_242 : i32
        %select_n3A_253 = arith.select %and3A_251, %add3A_252, %rem3A_243 : i32
        %dma_start3A_254 = arith.constant 0 : i32
        %dma_start3A_255 = arith.constant 0 : i32
        %dma_start3A_256 = tpu.memref_slice %arg13[%select_n3A_253, %dma_start3A_254, %dma_start3A_255] : memref<2x16x125xi32, #tpu.memory_space<vmem>> -> memref<1x16x125xi32, #tpu.memory_space<vmem>>
        %dma_start3A_257 = tpu.memref_squeeze %dma_start3A_256 : memref<1x16x125xi32, #tpu.memory_space<vmem>> -> memref<16x125xi32, #tpu.memory_space<vmem>>
        %dma_start3A_258 = arith.constant 0 : i32
        %dma_start3A_259 = tpu.memref_slice %arg2[%add3A, %multiple_of3A, %dma_start3A_258] : memref<32x80x125xi32, #tpu.memory_space<hbm>> -> memref<1x16x125xi32, #tpu.memory_space<hbm>>
        %dma_start3A_260 = tpu.memref_squeeze %dma_start3A_259 : memref<1x16x125xi32, #tpu.memory_space<hbm>> -> memref<16x125xi32, #tpu.memory_space<hbm>>
        %dma_start3A_261 = arith.constant 0 : i32
        %dma_start3A_262 = arith.constant 0 : i32
        %dma_start3A_263 = tpu.memref_slice %arg13[%select_n3A_253, %dma_start3A_261, %dma_start3A_262] : memref<2x16x125xi32, #tpu.memory_space<vmem>> -> memref<1x16x125xi32, #tpu.memory_space<vmem>>
        %dma_start3A_264 = tpu.memref_squeeze %dma_start3A_263 : memref<1x16x125xi32, #tpu.memory_space<vmem>> -> memref<16x125xi32, #tpu.memory_space<vmem>>
        %dma_start3A_265 = arith.constant 0 : i32
        %dma_start3A_266 = tpu.memref_slice %arg2[%add3A, %multiple_of3A, %dma_start3A_265] : memref<32x80x125xi32, #tpu.memory_space<hbm>> -> memref<1x16x125xi32, #tpu.memory_space<hbm>>
        %dma_start3A_267 = tpu.memref_squeeze %dma_start3A_266 : memref<1x16x125xi32, #tpu.memory_space<hbm>> -> memref<16x125xi32, #tpu.memory_space<hbm>>
        tpu.enqueue_dma source(%dma_start3A_267 : memref<16x125xi32, #tpu.memory_space<hbm>>) target(%dma_start3A_264 : memref<16x125xi32, #tpu.memory_space<vmem>>) target_semaphore(%arg18 : memref<!tpu.dma_semaphore, #tpu.memory_space<semaphore_mem>>)
        %add3A_268 = arith.constant 1 : i32
        %add3A_269 = arith.addi %scan3A_149, %add3A_268 : i32
        %jit3A_270 = arith.constant 2 : i32
        %eq3A_271 = arith.constant 0 : i32
        %eq3A_272 = arith.cmpi eq, %jit3A_270, %eq3A_271 : i32
        %jit3A_273 = arith.constant 1 : i32
        %select_n3A_274 = arith.select %eq3A_272, %jit3A_273, %jit3A_270 : i32
        %rem3A_275 = arith.remsi %add3A_269, %select_n3A_274 : i32
        %ne3A_276 = arith.constant 0 : i32
        %ne3A_277 = arith.cmpi ne, %rem3A_275, %ne3A_276 : i32
        %lt3A_278 = arith.constant 0 : i32
        %lt3A_279 = arith.cmpi slt, %rem3A_275, %lt3A_278 : i32
        %lt3A_280 = arith.constant 0 : i32
        %lt3A_281 = arith.cmpi slt, %select_n3A_274, %lt3A_280 : i32
        %ne3A_282 = arith.xori %lt3A_279, %lt3A_281 : i1
        %and3A_283 = arith.andi %ne3A_282, %ne3A_277 : i1
        %add3A_284 = arith.addi %rem3A_275, %select_n3A_274 : i32
        %select_n3A_285 = arith.select %and3A_283, %add3A_284, %rem3A_275 : i32
        %dma_start3A_286 = arith.constant 0 : i32
        %dma_start3A_287 = arith.constant 0 : i32
        %dma_start3A_288 = tpu.memref_slice %arg14[%select_n3A_285, %dma_start3A_286, %dma_start3A_287] : memref<2x16x125xi32, #tpu.memory_space<vmem>> -> memref<1x16x125xi32, #tpu.memory_space<vmem>>
        %dma_start3A_289 = tpu.memref_squeeze %dma_start3A_288 : memref<1x16x125xi32, #tpu.memory_space<vmem>> -> memref<16x125xi32, #tpu.memory_space<vmem>>
        %dma_start3A_290 = arith.constant 0 : i32
        %dma_start3A_291 = tpu.memref_slice %arg3[%add3A, %multiple_of3A, %dma_start3A_290] : memref<32x80x125xi32, #tpu.memory_space<hbm>> -> memref<1x16x125xi32, #tpu.memory_space<hbm>>
        %dma_start3A_292 = tpu.memref_squeeze %dma_start3A_291 : memref<1x16x125xi32, #tpu.memory_space<hbm>> -> memref<16x125xi32, #tpu.memory_space<hbm>>
        %dma_start3A_293 = arith.constant 0 : i32
        %dma_start3A_294 = arith.constant 0 : i32
        %dma_start3A_295 = tpu.memref_slice %arg14[%select_n3A_285, %dma_start3A_293, %dma_start3A_294] : memref<2x16x125xi32, #tpu.memory_space<vmem>> -> memref<1x16x125xi32, #tpu.memory_space<vmem>>
        %dma_start3A_296 = tpu.memref_squeeze %dma_start3A_295 : memref<1x16x125xi32, #tpu.memory_space<vmem>> -> memref<16x125xi32, #tpu.memory_space<vmem>>
        %dma_start3A_297 = arith.constant 0 : i32
        %dma_start3A_298 = tpu.memref_slice %arg3[%add3A, %multiple_of3A, %dma_start3A_297] : memref<32x80x125xi32, #tpu.memory_space<hbm>> -> memref<1x16x125xi32, #tpu.memory_space<hbm>>
        %dma_start3A_299 = tpu.memref_squeeze %dma_start3A_298 : memref<1x16x125xi32, #tpu.memory_space<hbm>> -> memref<16x125xi32, #tpu.memory_space<hbm>>
        tpu.enqueue_dma source(%dma_start3A_299 : memref<16x125xi32, #tpu.memory_space<hbm>>) target(%dma_start3A_296 : memref<16x125xi32, #tpu.memory_space<vmem>>) target_semaphore(%arg18 : memref<!tpu.dma_semaphore, #tpu.memory_space<semaphore_mem>>)
      } else {
      }
      %dma_start3A_198 = arith.constant 0 : i32
      %dma_start3A_199 = arith.constant 0 : i32
      %dma_start3A_200 = arith.constant 0 : i32
      %dma_start3A_201 = arith.constant 0 : i32
      %dma_start3A_202 = tpu.memref_slice %arg15[%dma_start3A_199, %dma_start3A_200, %dma_start3A_201] : memref<2x125x128xf32, #tpu.memory_space<vmem>> -> memref<1x125x128xf32, #tpu.memory_space<vmem>>
      %dma_start3A_203 = tpu.memref_squeeze %dma_start3A_202 : memref<1x125x128xf32, #tpu.memory_space<vmem>> -> memref<125x128xf32, #tpu.memory_space<vmem>>
      %dma_start3A_204 = arith.constant 0 : i32
      %dma_start3A_205 = tpu.memref_slice %arg13[%select_n3A_161, %dma_start3A_198, %dma_start3A_204] : memref<2x16x125xi32, #tpu.memory_space<vmem>> -> memref<1x1x125xi32, #tpu.memory_space<vmem>>
      %dma_start3A_206 = tpu.memref_squeeze %dma_start3A_205 : memref<1x1x125xi32, #tpu.memory_space<vmem>> -> memref<125xi32, #tpu.memory_space<vmem>>
      %dma_start3A_207 = arith.constant 0 : i32
      %dma_start3A_208 = arith.constant 0 : i32
      %dma_start3A_209 = tpu.memref_slice %arg4[%dma_start3A_207, %dma_start3A_208] : memref<10000x128xf32, #tpu.memory_space<hbm>> -> memref<10000x128xf32, #tpu.memory_space<hbm>>
      tpu.enqueue_indirect_dma source(%dma_start3A_209 : memref<10000x128xf32, #tpu.memory_space<hbm>>) target(%dma_start3A_203 : memref<125x128xf32, #tpu.memory_space<vmem>>) offsets(%dma_start3A_206 : memref<125xi32, #tpu.memory_space<vmem>>) semaphore(%arg17 : memref<!tpu.dma_semaphore, #tpu.memory_space<semaphore_mem>>)
      %dma_start3A_210 = arith.constant 0 : i32
      %dma_start3A_211 = arith.constant 0 : i32
      %dma_start3A_212 = arith.constant 0 : i32
      %dma_start3A_213 = tpu.memref_slice %arg19[%dma_start3A_211, %dma_start3A_212] : memref<16x125xf32, #tpu.memory_space<vmem>> -> memref<1x125xf32, #tpu.memory_space<vmem>>
      %dma_start3A_214 = tpu.memref_squeeze %dma_start3A_213 : memref<1x125xf32, #tpu.memory_space<vmem>> -> memref<125xf32, #tpu.memory_space<vmem>>
      %dma_start3A_215 = arith.constant 0 : i32
      %dma_start3A_216 = tpu.memref_slice %arg14[%select_n3A_161, %dma_start3A_210, %dma_start3A_215] : memref<2x16x125xi32, #tpu.memory_space<vmem>> -> memref<1x1x125xi32, #tpu.memory_space<vmem>>
      %dma_start3A_217 = tpu.memref_squeeze %dma_start3A_216 : memref<1x1x125xi32, #tpu.memory_space<vmem>> -> memref<125xi32, #tpu.memory_space<vmem>>
      %dma_start3A_218 = arith.constant 0 : i32
      %dma_start3A_219 = tpu.memref_slice %arg6[%dma_start3A_218] : memref<10000xf32, #tpu.memory_space<hbm>> -> memref<10000xf32, #tpu.memory_space<hbm>>
      tpu.enqueue_indirect_dma source(%dma_start3A_219 : memref<10000xf32, #tpu.memory_space<hbm>>) target(%dma_start3A_214 : memref<125xf32, #tpu.memory_space<vmem>>) offsets(%dma_start3A_217 : memref<125xi32, #tpu.memory_space<vmem>>) semaphore(%arg23 : memref<!tpu.dma_semaphore, #tpu.memory_space<semaphore_mem>>)
      %scan3A_220 = arith.constant 0 : i32
      %scan3A_221 = arith.constant 0 : i32
      %scan3A_222 = arith.constant 16 : i32
      %scan3A_223 = arith.addi %scan3A_221, %scan3A_222 : i32
      %scan3A_224 = arith.constant 1 : i32
      scf.for %scan3A_232 = %scan3A_221 to %scan3A_223 step %scan3A_224  : i32 {
        %lt3A_233 = arith.constant 15 : i32
        %lt3A_234 = arith.cmpi slt, %scan3A_232, %lt3A_233 : i32
        %convert_element_type3A_235 = arith.extui %lt3A_234 : i1 to i32
        %cond3A_236 = arith.constant 0 : i32
        %cond3A_237 = arith.cmpi ne, %convert_element_type3A_235, %cond3A_236 : i32
        scf.if %cond3A_237 {
          %add3A_304 = arith.constant 1 : i32
          %add3A_305 = arith.addi %scan3A_232, %add3A_304 : i32
          %add3A_306 = arith.constant 1 : i32
          %add3A_307 = arith.addi %scan3A_232, %add3A_306 : i32
          %jit3A_308 = arith.constant 2 : i32
          %eq3A_309 = arith.constant 0 : i32
          %eq3A_310 = arith.cmpi eq, %jit3A_308, %eq3A_309 : i32
          %jit3A_311 = arith.constant 1 : i32
          %select_n3A_312 = arith.select %eq3A_310, %jit3A_311, %jit3A_308 : i32
          %rem3A_313 = arith.remsi %add3A_307, %select_n3A_312 : i32
          %ne3A_314 = arith.constant 0 : i32
          %ne3A_315 = arith.cmpi ne, %rem3A_313, %ne3A_314 : i32
          %lt3A_316 = arith.constant 0 : i32
          %lt3A_317 = arith.cmpi slt, %rem3A_313, %lt3A_316 : i32
          %lt3A_318 = arith.constant 0 : i32
          %lt3A_319 = arith.cmpi slt, %select_n3A_312, %lt3A_318 : i32
          %ne3A_320 = arith.xori %lt3A_317, %lt3A_319 : i1
          %and3A_321 = arith.andi %ne3A_320, %ne3A_315 : i1
          %add3A_322 = arith.addi %rem3A_313, %select_n3A_312 : i32
          %select_n3A_323 = arith.select %and3A_321, %add3A_322, %rem3A_313 : i32
          %dma_start3A_324 = arith.constant 0 : i32
          %dma_start3A_325 = arith.constant 0 : i32
          %dma_start3A_326 = tpu.memref_slice %arg15[%select_n3A_323, %dma_start3A_324, %dma_start3A_325] : memref<2x125x128xf32, #tpu.memory_space<vmem>> -> memref<1x125x128xf32, #tpu.memory_space<vmem>>
          %dma_start3A_327 = tpu.memref_squeeze %dma_start3A_326 : memref<1x125x128xf32, #tpu.memory_space<vmem>> -> memref<125x128xf32, #tpu.memory_space<vmem>>
          %dma_start3A_328 = arith.constant 0 : i32
          %dma_start3A_329 = tpu.memref_slice %arg13[%select_n3A_161, %add3A_305, %dma_start3A_328] : memref<2x16x125xi32, #tpu.memory_space<vmem>> -> memref<1x1x125xi32, #tpu.memory_space<vmem>>
          %dma_start3A_330 = tpu.memref_squeeze %dma_start3A_329 : memref<1x1x125xi32, #tpu.memory_space<vmem>> -> memref<125xi32, #tpu.memory_space<vmem>>
          %dma_start3A_331 = arith.constant 0 : i32
          %dma_start3A_332 = arith.constant 0 : i32
          %dma_start3A_333 = tpu.memref_slice %arg4[%dma_start3A_331, %dma_start3A_332] : memref<10000x128xf32, #tpu.memory_space<hbm>> -> memref<10000x128xf32, #tpu.memory_space<hbm>>
          tpu.enqueue_indirect_dma source(%dma_start3A_333 : memref<10000x128xf32, #tpu.memory_space<hbm>>) target(%dma_start3A_327 : memref<125x128xf32, #tpu.memory_space<vmem>>) offsets(%dma_start3A_330 : memref<125xi32, #tpu.memory_space<vmem>>) semaphore(%arg17 : memref<!tpu.dma_semaphore, #tpu.memory_space<semaphore_mem>>)
          %add3A_334 = arith.constant 1 : i32
          %add3A_335 = arith.addi %scan3A_232, %add3A_334 : i32
          %add3A_336 = arith.constant 1 : i32
          %add3A_337 = arith.addi %scan3A_232, %add3A_336 : i32
          %dma_start3A_338 = arith.constant 0 : i32
          %dma_start3A_339 = tpu.memref_slice %arg19[%add3A_337, %dma_start3A_338] : memref<16x125xf32, #tpu.memory_space<vmem>> -> memref<1x125xf32, #tpu.memory_space<vmem>>
          %dma_start3A_340 = tpu.memref_squeeze %dma_start3A_339 : memref<1x125xf32, #tpu.memory_space<vmem>> -> memref<125xf32, #tpu.memory_space<vmem>>
          %dma_start3A_341 = arith.constant 0 : i32
          %dma_start3A_342 = tpu.memref_slice %arg14[%select_n3A_161, %add3A_335, %dma_start3A_341] : memref<2x16x125xi32, #tpu.memory_space<vmem>> -> memref<1x1x125xi32, #tpu.memory_space<vmem>>
          %dma_start3A_343 = tpu.memref_squeeze %dma_start3A_342 : memref<1x1x125xi32, #tpu.memory_space<vmem>> -> memref<125xi32, #tpu.memory_space<vmem>>
          %dma_start3A_344 = arith.constant 0 : i32
          %dma_start3A_345 = tpu.memref_slice %arg6[%dma_start3A_344] : memref<10000xf32, #tpu.memory_space<hbm>> -> memref<10000xf32, #tpu.memory_space<hbm>>
          tpu.enqueue_indirect_dma source(%dma_start3A_345 : memref<10000xf32, #tpu.memory_space<hbm>>) target(%dma_start3A_340 : memref<125xf32, #tpu.memory_space<vmem>>) offsets(%dma_start3A_343 : memref<125xi32, #tpu.memory_space<vmem>>) semaphore(%arg23 : memref<!tpu.dma_semaphore, #tpu.memory_space<semaphore_mem>>)
        } else {
        }
        %jit3A_238 = arith.constant 2 : i32
        %eq3A_239 = arith.constant 0 : i32
        %eq3A_240 = arith.cmpi eq, %jit3A_238, %eq3A_239 : i32
        %jit3A_241 = arith.constant 1 : i32
        %select_n3A_242 = arith.select %eq3A_240, %jit3A_241, %jit3A_238 : i32
        %rem3A_243 = arith.remsi %scan3A_232, %select_n3A_242 : i32
        %ne3A_244 = arith.constant 0 : i32
        %ne3A_245 = arith.cmpi ne, %rem3A_243, %ne3A_244 : i32
        %lt3A_246 = arith.constant 0 : i32
        %lt3A_247 = arith.cmpi slt, %rem3A_243, %lt3A_246 : i32
        %lt3A_248 = arith.constant 0 : i32
        %lt3A_249 = arith.cmpi slt, %select_n3A_242, %lt3A_248 : i32
        %ne3A_250 = arith.xori %lt3A_247, %lt3A_249 : i1
        %and3A_251 = arith.andi %ne3A_250, %ne3A_245 : i1
        %add3A_252 = arith.addi %rem3A_243, %select_n3A_242 : i32
        %select_n3A_253 = arith.select %and3A_251, %add3A_252, %rem3A_243 : i32
        %dma_wait3A_254 = arith.constant 0 : i32
        %dma_wait3A_255 = arith.constant 0 : i32
        %dma_wait3A_256 = arith.constant 0 : i32
        %dma_wait3A_257 = tpu.memref_slice %arg15[%select_n3A_253, %dma_wait3A_255, %dma_wait3A_256] : memref<2x125x128xf32, #tpu.memory_space<vmem>> -> memref<1x125x128xf32, #tpu.memory_space<vmem>>
        %dma_wait3A_258 = tpu.memref_squeeze %dma_wait3A_257 : memref<1x125x128xf32, #tpu.memory_space<vmem>> -> memref<125x128xf32, #tpu.memory_space<vmem>>
        %dma_wait3A_259 = arith.constant 0 : i32
        %dma_wait3A_260 = tpu.memref_slice %arg13[%select_n3A_161, %dma_wait3A_254, %dma_wait3A_259] : memref<2x16x125xi32, #tpu.memory_space<vmem>> -> memref<1x1x125xi32, #tpu.memory_space<vmem>>
        %dma_wait3A_261 = tpu.memref_squeeze %dma_wait3A_260 : memref<1x1x125xi32, #tpu.memory_space<vmem>> -> memref<125xi32, #tpu.memory_space<vmem>>
        %dma_wait3A_262 = arith.constant 0 : i32
        %dma_wait3A_263 = arith.constant 0 : i32
        %dma_wait3A_264 = tpu.memref_slice %arg4[%dma_wait3A_262, %dma_wait3A_263] : memref<10000x128xf32, #tpu.memory_space<hbm>> -> memref<10000x128xf32, #tpu.memory_space<hbm>>
        tpu.wait_indirect_dma semaphore(%arg17 : memref<!tpu.dma_semaphore, #tpu.memory_space<semaphore_mem>>) src(%dma_wait3A_264 : memref<10000x128xf32, #tpu.memory_space<hbm>>) dst(%dma_wait3A_258 : memref<125x128xf32, #tpu.memory_space<vmem>>)
        %jit3A_265 = arith.constant 2 : i32
        %eq3A_266 = arith.constant 0 : i32
        %eq3A_267 = arith.cmpi eq, %jit3A_265, %eq3A_266 : i32
        %jit3A_268 = arith.constant 1 : i32
        %select_n3A_269 = arith.select %eq3A_267, %jit3A_268, %jit3A_265 : i32
        %rem3A_270 = arith.remsi %scan3A_232, %select_n3A_269 : i32
        %ne3A_271 = arith.constant 0 : i32
        %ne3A_272 = arith.cmpi ne, %rem3A_270, %ne3A_271 : i32
        %lt3A_273 = arith.constant 0 : i32
        %lt3A_274 = arith.cmpi slt, %rem3A_270, %lt3A_273 : i32
        %lt3A_275 = arith.constant 0 : i32
        %lt3A_276 = arith.cmpi slt, %select_n3A_269, %lt3A_275 : i32
        %ne3A_277 = arith.xori %lt3A_274, %lt3A_276 : i1
        %and3A_278 = arith.andi %ne3A_277, %ne3A_272 : i1
        %add3A_279 = arith.addi %rem3A_270, %select_n3A_269 : i32
        %select_n3A_280 = arith.select %and3A_278, %add3A_279, %rem3A_270 : i32
        "tpu.region"() ({
          %run_scoped3A = tpu.sem_alloc : memref<!tpu.dma_semaphore, #tpu.memory_space<semaphore_mem>>
          %dma_start3A_304 = arith.constant 0 : i32
          %dma_start3A_305 = arith.constant 0 : i32
          %dma_start3A_306 = tpu.memref_slice %arg15[%select_n3A_280, %dma_start3A_304, %dma_start3A_305] : memref<2x125x128xf32, #tpu.memory_space<vmem>> -> memref<1x125x128xf32, #tpu.memory_space<vmem>>
          %dma_start3A_307 = tpu.memref_squeeze %dma_start3A_306 : memref<1x125x128xf32, #tpu.memory_space<vmem>> -> memref<125x128xf32, #tpu.memory_space<vmem>>
          %dma_start3A_308 = arith.constant 0 : i32
          %dma_start3A_309 = tpu.memref_slice %arg14[%select_n3A_161, %scan3A_232, %dma_start3A_308] : memref<2x16x125xi32, #tpu.memory_space<vmem>> -> memref<1x1x125xi32, #tpu.memory_space<vmem>>
          %dma_start3A_310 = tpu.memref_squeeze %dma_start3A_309 : memref<1x1x125xi32, #tpu.memory_space<vmem>> -> memref<125xi32, #tpu.memory_space<vmem>>
          %dma_start3A_311 = arith.constant 0 : i32
          %dma_start3A_312 = arith.constant 0 : i32
          %dma_start3A_313 = tpu.memref_slice %arg16[%dma_start3A_311, %dma_start3A_312] : memref<10000x128xf32, #tpu.memory_space<vmem_shared>> -> memref<10000x128xf32, #tpu.memory_space<vmem_shared>>
          tpu.enqueue_indirect_dma source(%dma_start3A_307 : memref<125x128xf32, #tpu.memory_space<vmem>>) target(%dma_start3A_313 : memref<10000x128xf32, #tpu.memory_space<vmem_shared>>) offsets(%dma_start3A_310 : memref<125xi32, #tpu.memory_space<vmem>>) semaphore(%run_scoped3A : memref<!tpu.dma_semaphore, #tpu.memory_space<semaphore_mem>>) {add = true}
          %dma_wait3A_314 = arith.constant 0 : i32
          %dma_wait3A_315 = arith.constant 0 : i32
          %dma_wait3A_316 = tpu.memref_slice %arg15[%select_n3A_280, %dma_wait3A_314, %dma_wait3A_315] : memref<2x125x128xf32, #tpu.memory_space<vmem>> -> memref<1x125x128xf32, #tpu.memory_space<vmem>>
          %dma_wait3A_317 = tpu.memref_squeeze %dma_wait3A_316 : memref<1x125x128xf32, #tpu.memory_space<vmem>> -> memref<125x128xf32, #tpu.memory_space<vmem>>
          %dma_wait3A_318 = arith.constant 0 : i32
          %dma_wait3A_319 = tpu.memref_slice %arg14[%select_n3A_161, %scan3A_232, %dma_wait3A_318] : memref<2x16x125xi32, #tpu.memory_space<vmem>> -> memref<1x1x125xi32, #tpu.memory_space<vmem>>
          %dma_wait3A_320 = tpu.memref_squeeze %dma_wait3A_319 : memref<1x1x125xi32, #tpu.memory_space<vmem>> -> memref<125xi32, #tpu.memory_space<vmem>>
          %dma_wait3A_321 = arith.constant 0 : i32
          %dma_wait3A_322 = arith.constant 0 : i32
          %dma_wait3A_323 = tpu.memref_slice %arg16[%dma_wait3A_321, %dma_wait3A_322] : memref<10000x128xf32, #tpu.memory_space<vmem_shared>> -> memref<10000x128xf32, #tpu.memory_space<vmem_shared>>
          tpu.wait_indirect_dma semaphore(%run_scoped3A : memref<!tpu.dma_semaphore, #tpu.memory_space<semaphore_mem>>) src(%dma_wait3A_317 : memref<125x128xf32, #tpu.memory_space<vmem>>) dst(%dma_wait3A_323 : memref<10000x128xf32, #tpu.memory_space<vmem_shared>>)
          tpu.yield
        }) : () -> ()
        %dma_wait3A_281 = arith.constant 0 : i32
        %dma_wait3A_282 = arith.constant 0 : i32
        %dma_wait3A_283 = arith.constant 0 : i32
        %dma_wait3A_284 = tpu.memref_slice %arg19[%dma_wait3A_282, %dma_wait3A_283] : memref<16x125xf32, #tpu.memory_space<vmem>> -> memref<1x125xf32, #tpu.memory_space<vmem>>
        %dma_wait3A_285 = tpu.memref_squeeze %dma_wait3A_284 : memref<1x125xf32, #tpu.memory_space<vmem>> -> memref<125xf32, #tpu.memory_space<vmem>>
        %dma_wait3A_286 = arith.constant 0 : i32
        %dma_wait3A_287 = tpu.memref_slice %arg14[%select_n3A_161, %dma_wait3A_281, %dma_wait3A_286] : memref<2x16x125xi32, #tpu.memory_space<vmem>> -> memref<1x1x125xi32, #tpu.memory_space<vmem>>
        %dma_wait3A_288 = tpu.memref_squeeze %dma_wait3A_287 : memref<1x1x125xi32, #tpu.memory_space<vmem>> -> memref<125xi32, #tpu.memory_space<vmem>>
        %dma_wait3A_289 = arith.constant 0 : i32
        %dma_wait3A_290 = tpu.memref_slice %arg6[%dma_wait3A_289] : memref<10000xf32, #tpu.memory_space<hbm>> -> memref<10000xf32, #tpu.memory_space<hbm>>
        tpu.wait_indirect_dma semaphore(%arg23 : memref<!tpu.dma_semaphore, #tpu.memory_space<semaphore_mem>>) src(%dma_wait3A_290 : memref<10000xf32, #tpu.memory_space<hbm>>) dst(%dma_wait3A_285 : memref<125xf32, #tpu.memory_space<vmem>>)
        %dma_start3A_291 = arith.constant 0 : i32
        %dma_start3A_292 = tpu.memref_slice %arg19[%scan3A_232, %dma_start3A_291] : memref<16x125xf32, #tpu.memory_space<vmem>> -> memref<1x125xf32, #tpu.memory_space<vmem>>
        %dma_start3A_293 = tpu.memref_squeeze %dma_start3A_292 : memref<1x125xf32, #tpu.memory_space<vmem>> -> memref<125xf32, #tpu.memory_space<vmem>>
        %dma_start3A_294 = arith.constant 0 : i32
        %dma_start3A_295 = tpu.memref_slice %arg13[%select_n3A_161, %scan3A_232, %dma_start3A_294] : memref<2x16x125xi32, #tpu.memory_space<vmem>> -> memref<1x1x125xi32, #tpu.memory_space<vmem>>
        %dma_start3A_296 = tpu.memref_squeeze %dma_start3A_295 : memref<1x1x125xi32, #tpu.memory_space<vmem>> -> memref<125xi32, #tpu.memory_space<vmem>>
        %dma_start3A_297 = arith.constant 0 : i32
        %dma_start3A_298 = tpu.memref_slice %arg21[%dma_start3A_297] : memref<10000xf32, #tpu.memory_space<vmem_shared>> -> memref<10000xf32, #tpu.memory_space<vmem_shared>>
        tpu.enqueue_indirect_dma source(%dma_start3A_293 : memref<125xf32, #tpu.memory_space<vmem>>) target(%dma_start3A_298 : memref<10000xf32, #tpu.memory_space<vmem_shared>>) offsets(%dma_start3A_296 : memref<125xi32, #tpu.memory_space<vmem>>) semaphore(%arg24 : memref<!tpu.dma_semaphore, #tpu.memory_space<semaphore_mem>>) {add = true}
        %dma_start3A_299 = arith.constant 0 : i32
        %dma_start3A_300 = tpu.memref_slice %arg14[%select_n3A_161, %scan3A_232, %dma_start3A_299] : memref<2x16x125xi32, #tpu.memory_space<vmem>> -> memref<1x1x125xi32, #tpu.memory_space<vmem>>
        %dma_start3A_301 = tpu.memref_squeeze %dma_start3A_300 : memref<1x1x125xi32, #tpu.memory_space<vmem>> -> memref<125xi32, #tpu.memory_space<vmem>>
        %dma_start3A_302 = arith.constant 0 : i32
        %dma_start3A_303 = tpu.memref_slice %arg22[%dma_start3A_302] : memref<10000xf32, #tpu.memory_space<vmem_shared>> -> memref<10000xf32, #tpu.memory_space<vmem_shared>>
        tpu.enqueue_indirect_dma source(%arg20 : memref<125xf32, #tpu.memory_space<vmem>>) target(%dma_start3A_303 : memref<10000xf32, #tpu.memory_space<vmem_shared>>) offsets(%dma_start3A_301 : memref<125xi32, #tpu.memory_space<vmem>>) semaphore(%arg25 : memref<!tpu.dma_semaphore, #tpu.memory_space<semaphore_mem>>) {add = true}
      }
      %scan3A_225 = arith.constant 16 : i32
      %scan3A_226 = arith.constant 0 : i32
      %scan3A_227 = arith.constant 0 : i32
      %scan3A_228 = arith.constant 16 : i32
      %scan3A_229 = arith.addi %scan3A_227, %scan3A_228 : i32
      %scan3A_230 = arith.constant 1 : i32
      scf.for %scan3A_232 = %scan3A_227 to %scan3A_229 step %scan3A_230  : i32 {
        %dma_wait3A_233 = arith.constant 0 : i32
        %dma_wait3A_234 = arith.constant 0 : i32
        %dma_wait3A_235 = arith.constant 0 : i32
        %dma_wait3A_236 = arith.constant 0 : i32
        %dma_wait3A_237 = tpu.memref_slice %arg19[%dma_wait3A_233, %dma_wait3A_236] : memref<16x125xf32, #tpu.memory_space<vmem>> -> memref<1x125xf32, #tpu.memory_space<vmem>>
        %dma_wait3A_238 = tpu.memref_squeeze %dma_wait3A_237 : memref<1x125xf32, #tpu.memory_space<vmem>> -> memref<125xf32, #tpu.memory_space<vmem>>
        %dma_wait3A_239 = arith.constant 0 : i32
        %dma_wait3A_240 = tpu.memref_slice %arg13[%dma_wait3A_234, %dma_wait3A_235, %dma_wait3A_239] : memref<2x16x125xi32, #tpu.memory_space<vmem>> -> memref<1x1x125xi32, #tpu.memory_space<vmem>>
        %dma_wait3A_241 = tpu.memref_squeeze %dma_wait3A_240 : memref<1x1x125xi32, #tpu.memory_space<vmem>> -> memref<125xi32, #tpu.memory_space<vmem>>
        %dma_wait3A_242 = arith.constant 0 : i32
        %dma_wait3A_243 = tpu.memref_slice %arg21[%dma_wait3A_242] : memref<10000xf32, #tpu.memory_space<vmem_shared>> -> memref<10000xf32, #tpu.memory_space<vmem_shared>>
        tpu.wait_indirect_dma semaphore(%arg24 : memref<!tpu.dma_semaphore, #tpu.memory_space<semaphore_mem>>) src(%dma_wait3A_238 : memref<125xf32, #tpu.memory_space<vmem>>) dst(%dma_wait3A_243 : memref<10000xf32, #tpu.memory_space<vmem_shared>>)
      }
      %scan3A_231 = arith.constant 16 : i32
    }
    %scan3A_100 = arith.constant 5 : i32
    %scan3A_101 = arith.constant 0 : i32
    %scan3A_102 = arith.constant 0 : i32
    %scan3A_103 = arith.constant 80 : i32
    %scan3A_104 = arith.addi %scan3A_102, %scan3A_103 : i32
    %scan3A_105 = arith.constant 1 : i32
    scf.for %scan3A_149 = %scan3A_102 to %scan3A_104 step %scan3A_105  : i32 {
      %dma_wait3A = arith.constant 0 : i32
      %dma_wait3A_150 = arith.constant 0 : i32
      %dma_wait3A_151 = arith.constant 0 : i32
      %dma_wait3A_152 = tpu.memref_slice %arg14[%dma_wait3A, %dma_wait3A_150, %dma_wait3A_151] : memref<2x16x125xi32, #tpu.memory_space<vmem>> -> memref<1x1x125xi32, #tpu.memory_space<vmem>>
      %dma_wait3A_153 = tpu.memref_squeeze %dma_wait3A_152 : memref<1x1x125xi32, #tpu.memory_space<vmem>> -> memref<125xi32, #tpu.memory_space<vmem>>
      %dma_wait3A_154 = arith.constant 0 : i32
      %dma_wait3A_155 = tpu.memref_slice %arg22[%dma_wait3A_154] : memref<10000xf32, #tpu.memory_space<vmem_shared>> -> memref<10000xf32, #tpu.memory_space<vmem_shared>>
      tpu.wait_indirect_dma semaphore(%arg25 : memref<!tpu.dma_semaphore, #tpu.memory_space<semaphore_mem>>) src(%arg20 : memref<125xf32, #tpu.memory_space<vmem>>) dst(%dma_wait3A_155 : memref<10000xf32, #tpu.memory_space<vmem_shared>>)
    }
    %scan3A_106 = arith.constant 80 : i32
    %barrier3A_107 = arith.constant 0 : index
    tpu.barrier barrier_id(%barrier3A_107)
    %lt3A_108 = arith.constant 15 : i32
    %lt3A_109 = arith.cmpi slt, %arg1, %lt3A_108 : i32
    %convert_element_type3A_110 = arith.extui %lt3A_109 : i1 to i32
    %cond3A_111 = arith.constant 0 : i32
    %cond3A_112 = arith.cmpi ne, %convert_element_type3A_110, %cond3A_111 : i32
    scf.if %cond3A_112 {
      %mul3A_149 = arith.constant 632 : i32
      %mul3A_150 = arith.muli %arg1, %mul3A_149 : i32
      %multiple_of3A = tpu.assume_multiple %mul3A_150, 8 : i32
      "tpu.region"() ({
        %run_scoped3A = tpu.sem_alloc : memref<!tpu.dma_semaphore, #tpu.memory_space<semaphore_mem>>
        %dma_start3A_151 = arith.constant 0 : i32
        %dma_start3A_152 = tpu.memref_slice %arg8[%arg0, %multiple_of3A, %dma_start3A_151] : memref<2x10000x128xf32, #tpu.memory_space<hbm>> -> memref<1x632x128xf32, #tpu.memory_space<hbm>>
        %dma_start3A_153 = tpu.memref_squeeze %dma_start3A_152 : memref<1x632x128xf32, #tpu.memory_space<hbm>> -> memref<632x128xf32, #tpu.memory_space<hbm>>
        %dma_start3A_154 = arith.constant 0 : i32
        %dma_start3A_155 = tpu.memref_slice %arg16[%multiple_of3A, %dma_start3A_154] : memref<10000x128xf32, #tpu.memory_space<vmem_shared>> -> memref<632x128xf32, #tpu.memory_space<vmem_shared>>
        tpu.enqueue_dma source(%dma_start3A_155 : memref<632x128xf32, #tpu.memory_space<vmem_shared>>) target(%dma_start3A_153 : memref<632x128xf32, #tpu.memory_space<hbm>>) target_semaphore(%run_scoped3A : memref<!tpu.dma_semaphore, #tpu.memory_space<semaphore_mem>>)
        %dma_wait3A = arith.constant 0 : i32
        %dma_wait3A_156 = tpu.memref_slice %arg8[%arg0, %multiple_of3A, %dma_wait3A] : memref<2x10000x128xf32, #tpu.memory_space<hbm>> -> memref<1x632x128xf32, #tpu.memory_space<hbm>>
        %dma_wait3A_157 = tpu.memref_squeeze %dma_wait3A_156 : memref<1x632x128xf32, #tpu.memory_space<hbm>> -> memref<632x128xf32, #tpu.memory_space<hbm>>
        %dma_wait3A_158 = arith.constant 0 : i32
        %dma_wait3A_159 = tpu.memref_slice %arg16[%multiple_of3A, %dma_wait3A_158] : memref<10000x128xf32, #tpu.memory_space<vmem_shared>> -> memref<632x128xf32, #tpu.memory_space<vmem_shared>>
        tpu.wait_dma2 semaphore(%run_scoped3A : memref<!tpu.dma_semaphore, #tpu.memory_space<semaphore_mem>>) src(%dma_wait3A_159 : memref<632x128xf32, #tpu.memory_space<vmem_shared>>) dst(%dma_wait3A_157 : memref<632x128xf32, #tpu.memory_space<hbm>>)
        tpu.yield
      }) : () -> ()
    } else {
    }
    %eq3A_113 = arith.constant 15 : i32
    %eq3A_114 = arith.cmpi eq, %arg1, %eq3A_113 : i32
    %convert_element_type3A_115 = arith.extui %eq3A_114 : i1 to i32
    %cond3A_116 = arith.constant 0 : i32
    %cond3A_117 = arith.cmpi ne, %convert_element_type3A_115, %cond3A_116 : i32
    scf.if %cond3A_117 {
      "tpu.region"() ({
        %run_scoped3A = tpu.sem_alloc : memref<!tpu.dma_semaphore, #tpu.memory_space<semaphore_mem>>
        %dma_start3A_149 = arith.constant 9480 : i32
        %dma_start3A_150 = arith.constant 0 : i32
        %dma_start3A_151 = tpu.memref_slice %arg8[%arg0, %dma_start3A_149, %dma_start3A_150] : memref<2x10000x128xf32, #tpu.memory_space<hbm>> -> memref<1x520x128xf32, #tpu.memory_space<hbm>>
        %dma_start3A_152 = tpu.memref_squeeze %dma_start3A_151 : memref<1x520x128xf32, #tpu.memory_space<hbm>> -> memref<520x128xf32, #tpu.memory_space<hbm>>
        %dma_start3A_153 = arith.constant 9480 : i32
        %dma_start3A_154 = arith.constant 0 : i32
        %dma_start3A_155 = tpu.memref_slice %arg16[%dma_start3A_153, %dma_start3A_154] : memref<10000x128xf32, #tpu.memory_space<vmem_shared>> -> memref<520x128xf32, #tpu.memory_space<vmem_shared>>
        tpu.enqueue_dma source(%dma_start3A_155 : memref<520x128xf32, #tpu.memory_space<vmem_shared>>) target(%dma_start3A_152 : memref<520x128xf32, #tpu.memory_space<hbm>>) target_semaphore(%run_scoped3A : memref<!tpu.dma_semaphore, #tpu.memory_space<semaphore_mem>>)
        %dma_wait3A = arith.constant 9480 : i32
        %dma_wait3A_156 = arith.constant 0 : i32
        %dma_wait3A_157 = tpu.memref_slice %arg8[%arg0, %dma_wait3A, %dma_wait3A_156] : memref<2x10000x128xf32, #tpu.memory_space<hbm>> -> memref<1x520x128xf32, #tpu.memory_space<hbm>>
        %dma_wait3A_158 = tpu.memref_squeeze %dma_wait3A_157 : memref<1x520x128xf32, #tpu.memory_space<hbm>> -> memref<520x128xf32, #tpu.memory_space<hbm>>
        %dma_wait3A_159 = arith.constant 9480 : i32
        %dma_wait3A_160 = arith.constant 0 : i32
        %dma_wait3A_161 = tpu.memref_slice %arg16[%dma_wait3A_159, %dma_wait3A_160] : memref<10000x128xf32, #tpu.memory_space<vmem_shared>> -> memref<520x128xf32, #tpu.memory_space<vmem_shared>>
        tpu.wait_dma2 semaphore(%run_scoped3A : memref<!tpu.dma_semaphore, #tpu.memory_space<semaphore_mem>>) src(%dma_wait3A_161 : memref<520x128xf32, #tpu.memory_space<vmem_shared>>) dst(%dma_wait3A_158 : memref<520x128xf32, #tpu.memory_space<hbm>>)
        tpu.yield
      }) : () -> ()
    } else {
    }
    %eq3A_118 = arith.constant 0 : i32
    %eq3A_119 = arith.cmpi eq, %arg1, %eq3A_118 : i32
    %eq3A_120 = arith.constant 0 : i32
    %eq3A_121 = arith.cmpi eq, %arg0, %eq3A_120 : i32
    %and3A = arith.andi %eq3A_119, %eq3A_121 : i1
    %convert_element_type3A_122 = arith.extui %and3A : i1 to i32
    %cond3A_123 = arith.constant 0 : i32
    %cond3A_124 = arith.cmpi ne, %convert_element_type3A_122, %cond3A_123 : i32
    scf.if %cond3A_124 {
      "tpu.region"() ({
        %run_scoped3A = tpu.sem_alloc : memref<!tpu.dma_semaphore, #tpu.memory_space<semaphore_mem>>
        tpu.enqueue_dma source(%arg21 : memref<10000xf32, #tpu.memory_space<vmem_shared>>) target(%arg9 : memref<10000xf32, #tpu.memory_space<hbm>>) target_semaphore(%run_scoped3A : memref<!tpu.dma_semaphore, #tpu.memory_space<semaphore_mem>>)
        tpu.wait_dma2 semaphore(%run_scoped3A : memref<!tpu.dma_semaphore, #tpu.memory_space<semaphore_mem>>) src(%arg21 : memref<10000xf32, #tpu.memory_space<vmem_shared>>) dst(%arg9 : memref<10000xf32, #tpu.memory_space<hbm>>)
        tpu.yield
      }) : () -> ()
    } else {
    }
    %eq3A_125 = arith.constant 0 : i32
    %eq3A_126 = arith.cmpi eq, %arg1, %eq3A_125 : i32
    %eq3A_127 = arith.constant 1 : i32
    %eq3A_128 = arith.cmpi eq, %arg0, %eq3A_127 : i32
    %and3A_129 = arith.andi %eq3A_126, %eq3A_128 : i1
    %convert_element_type3A_130 = arith.extui %and3A_129 : i1 to i32
    %cond3A_131 = arith.constant 0 : i32
    %cond3A_132 = arith.cmpi ne, %convert_element_type3A_130, %cond3A_131 : i32
    scf.if %cond3A_132 {
      "tpu.region"() ({
        %run_scoped3A = tpu.sem_alloc : memref<!tpu.dma_semaphore, #tpu.memory_space<semaphore_mem>>
        tpu.enqueue_dma source(%arg21 : memref<10000xf32, #tpu.memory_space<vmem_shared>>) target(%arg10 : memref<10000xf32, #tpu.memory_space<hbm>>) target_semaphore(%run_scoped3A : memref<!tpu.dma_semaphore, #tpu.memory_space<semaphore_mem>>)
        tpu.wait_dma2 semaphore(%run_scoped3A : memref<!tpu.dma_semaphore, #tpu.memory_space<semaphore_mem>>) src(%arg21 : memref<10000xf32, #tpu.memory_space<vmem_shared>>) dst(%arg10 : memref<10000xf32, #tpu.memory_space<hbm>>)
        tpu.yield
      }) : () -> ()
    } else {
    }
    %eq3A_133 = arith.constant 1 : i32
    %eq3A_134 = arith.cmpi eq, %arg1, %eq3A_133 : i32
    %eq3A_135 = arith.constant 0 : i32
    %eq3A_136 = arith.cmpi eq, %arg0, %eq3A_135 : i32
    %and3A_137 = arith.andi %eq3A_134, %eq3A_136 : i1
    %convert_element_type3A_138 = arith.extui %and3A_137 : i1 to i32
    %cond3A_139 = arith.constant 0 : i32
    %cond3A_140 = arith.cmpi ne, %convert_element_type3A_138, %cond3A_139 : i32
    scf.if %cond3A_140 {
      "tpu.region"() ({
        %run_scoped3A = tpu.sem_alloc : memref<!tpu.dma_semaphore, #tpu.memory_space<semaphore_mem>>
        tpu.enqueue_dma source(%arg22 : memref<10000xf32, #tpu.memory_space<vmem_shared>>) target(%arg11 : memref<10000xf32, #tpu.memory_space<hbm>>) target_semaphore(%run_scoped3A : memref<!tpu.dma_semaphore, #tpu.memory_space<semaphore_mem>>)
        tpu.wait_dma2 semaphore(%run_scoped3A : memref<!tpu.dma_semaphore, #tpu.memory_space<semaphore_mem>>) src(%arg22 : memref<10000xf32, #tpu.memory_space<vmem_shared>>) dst(%arg11 : memref<10000xf32, #tpu.memory_space<hbm>>)
        tpu.yield
      }) : () -> ()
    } else {
    }
    %eq3A_141 = arith.constant 1 : i32
    %eq3A_142 = arith.cmpi eq, %arg1, %eq3A_141 : i32
    %eq3A_143 = arith.constant 1 : i32
    %eq3A_144 = arith.cmpi eq, %arg0, %eq3A_143 : i32
    %and3A_145 = arith.andi %eq3A_142, %eq3A_144 : i1
    %convert_element_type3A_146 = arith.extui %and3A_145 : i1 to i32
    %cond3A_147 = arith.constant 0 : i32
    %cond3A_148 = arith.cmpi ne, %convert_element_type3A_146, %cond3A_147 : i32
    scf.if %cond3A_148 {
      "tpu.region"() ({
        %run_scoped3A = tpu.sem_alloc : memref<!tpu.dma_semaphore, #tpu.memory_space<semaphore_mem>>
        tpu.enqueue_dma source(%arg22 : memref<10000xf32, #tpu.memory_space<vmem_shared>>) target(%arg12 : memref<10000xf32, #tpu.memory_space<hbm>>) target_semaphore(%run_scoped3A : memref<!tpu.dma_semaphore, #tpu.memory_space<semaphore_mem>>)
        tpu.wait_dma2 semaphore(%run_scoped3A : memref<!tpu.dma_semaphore, #tpu.memory_space<semaphore_mem>>) src(%arg22 : memref<10000xf32, #tpu.memory_space<vmem_shared>>) dst(%arg12 : memref<10000xf32, #tpu.memory_space<hbm>>)
        tpu.yield
      }) : () -> ()
    } else {
    }
    return
  }
}

#map = affine_map<(d0, d1) -> (0, 0, 0)>
#map1 = affine_map<(d0, d1) -> (0, 0)>
module attributes {stable_mosaic.version = 14 : i64} {
  func.func @body(%arg0: i32, %arg1: i32, %arg2: memref<32x80x125xi32, #tpu.memory_space<hbm>>, %arg3: memref<32x80x125xi32, #tpu.memory_space<hbm>>, %arg4: memref<10000x128xf32, #tpu.memory_space<hbm>>, %arg5: memref<10000x128xf32, #tpu.memory_space<hbm>>, %arg6: memref<2x10000x128xf32, #tpu.memory_space<hbm>>, %arg7: memref<2x16x125xi32, #tpu.memory_space<vmem>>, %arg8: memref<2x16x125xi32, #tpu.memory_space<vmem>>, %arg9: memref<2x125x128xf32, #tpu.memory_space<vmem>>, %arg10: memref<10000x128xf32, #tpu.memory_space<vmem_shared>>, %arg11: memref<!tpu.dma_semaphore, #tpu.memory_space<semaphore_mem>>, %arg12: memref<!tpu.dma_semaphore, #tpu.memory_space<semaphore_mem>>) attributes {dimension_semantics = [#tpu.dimension_semantics<core_parallel>, #tpu.dimension_semantics<subcore_parallel>], iteration_bounds = array<i64: 2, 16>, scalar_prefetch = 0 : i64, scratch_operands = 6 : i64, tpu.core_type = #tpu.core_type<sc_vector_subcore>, window_params = [{transform_indices = #map}, {transform_indices = #map}, {transform_indices = #map1}, {transform_indices = #map1}, {transform_indices = #map}]} {
    %mul3A = arith.constant 16 : i32
    %mul3A_0 = arith.muli %arg0, %mul3A : i32
    %add3A = arith.addi %mul3A_0, %arg1 : i32
    %lt3A = arith.constant 15 : i32
    %lt3A_1 = arith.cmpi slt, %arg1, %lt3A : i32
    %convert_element_type3A = arith.extui %lt3A_1 : i1 to i32
    %cond3A = arith.constant 0 : i32
    %cond3A_2 = arith.cmpi ne, %convert_element_type3A, %cond3A : i32
    scf.if %cond3A_2 {
      %mul3A_56 = arith.constant 632 : i32
      %mul3A_57 = arith.muli %arg1, %mul3A_56 : i32
      %multiple_of3A = tpu.assume_multiple %mul3A_57, 8 : i32
      "tpu.region"() ({
        %run_scoped3A = tpu.sem_alloc : memref<!tpu.dma_semaphore, #tpu.memory_space<semaphore_mem>>
        %dma_start3A_58 = arith.constant 0 : i32
        %dma_start3A_59 = tpu.memref_slice %arg10[%multiple_of3A, %dma_start3A_58] : memref<10000x128xf32, #tpu.memory_space<vmem_shared>> -> memref<632x128xf32, #tpu.memory_space<vmem_shared>>
        %dma_start3A_60 = arith.constant 0 : i32
        %dma_start3A_61 = tpu.memref_slice %arg5[%multiple_of3A, %dma_start3A_60] : memref<10000x128xf32, #tpu.memory_space<hbm>> -> memref<632x128xf32, #tpu.memory_space<hbm>>
        tpu.enqueue_dma source(%dma_start3A_61 : memref<632x128xf32, #tpu.memory_space<hbm>>) target(%dma_start3A_59 : memref<632x128xf32, #tpu.memory_space<vmem_shared>>) target_semaphore(%run_scoped3A : memref<!tpu.dma_semaphore, #tpu.memory_space<semaphore_mem>>)
        %dma_wait3A = arith.constant 0 : i32
        %dma_wait3A_62 = tpu.memref_slice %arg10[%multiple_of3A, %dma_wait3A] : memref<10000x128xf32, #tpu.memory_space<vmem_shared>> -> memref<632x128xf32, #tpu.memory_space<vmem_shared>>
        %dma_wait3A_63 = arith.constant 0 : i32
        %dma_wait3A_64 = tpu.memref_slice %arg5[%multiple_of3A, %dma_wait3A_63] : memref<10000x128xf32, #tpu.memory_space<hbm>> -> memref<632x128xf32, #tpu.memory_space<hbm>>
        tpu.wait_dma2 semaphore(%run_scoped3A : memref<!tpu.dma_semaphore, #tpu.memory_space<semaphore_mem>>) src(%dma_wait3A_64 : memref<632x128xf32, #tpu.memory_space<hbm>>) dst(%dma_wait3A_62 : memref<632x128xf32, #tpu.memory_space<vmem_shared>>)
        tpu.yield
      }) : () -> ()
    } else {
    }
    %eq3A = arith.constant 15 : i32
    %eq3A_3 = arith.cmpi eq, %arg1, %eq3A : i32
    %convert_element_type3A_4 = arith.extui %eq3A_3 : i1 to i32
    %cond3A_5 = arith.constant 0 : i32
    %cond3A_6 = arith.cmpi ne, %convert_element_type3A_4, %cond3A_5 : i32
    scf.if %cond3A_6 {
      "tpu.region"() ({
        %run_scoped3A = tpu.sem_alloc : memref<!tpu.dma_semaphore, #tpu.memory_space<semaphore_mem>>
        %dma_start3A_56 = arith.constant 9480 : i32
        %dma_start3A_57 = arith.constant 0 : i32
        %dma_start3A_58 = tpu.memref_slice %arg10[%dma_start3A_56, %dma_start3A_57] : memref<10000x128xf32, #tpu.memory_space<vmem_shared>> -> memref<520x128xf32, #tpu.memory_space<vmem_shared>>
        %dma_start3A_59 = arith.constant 9480 : i32
        %dma_start3A_60 = arith.constant 0 : i32
        %dma_start3A_61 = tpu.memref_slice %arg5[%dma_start3A_59, %dma_start3A_60] : memref<10000x128xf32, #tpu.memory_space<hbm>> -> memref<520x128xf32, #tpu.memory_space<hbm>>
        tpu.enqueue_dma source(%dma_start3A_61 : memref<520x128xf32, #tpu.memory_space<hbm>>) target(%dma_start3A_58 : memref<520x128xf32, #tpu.memory_space<vmem_shared>>) target_semaphore(%run_scoped3A : memref<!tpu.dma_semaphore, #tpu.memory_space<semaphore_mem>>)
        %dma_wait3A = arith.constant 9480 : i32
        %dma_wait3A_62 = arith.constant 0 : i32
        %dma_wait3A_63 = tpu.memref_slice %arg10[%dma_wait3A, %dma_wait3A_62] : memref<10000x128xf32, #tpu.memory_space<vmem_shared>> -> memref<520x128xf32, #tpu.memory_space<vmem_shared>>
        %dma_wait3A_64 = arith.constant 9480 : i32
        %dma_wait3A_65 = arith.constant 0 : i32
        %dma_wait3A_66 = tpu.memref_slice %arg5[%dma_wait3A_64, %dma_wait3A_65] : memref<10000x128xf32, #tpu.memory_space<hbm>> -> memref<520x128xf32, #tpu.memory_space<hbm>>
        tpu.wait_dma2 semaphore(%run_scoped3A : memref<!tpu.dma_semaphore, #tpu.memory_space<semaphore_mem>>) src(%dma_wait3A_66 : memref<520x128xf32, #tpu.memory_space<hbm>>) dst(%dma_wait3A_63 : memref<520x128xf32, #tpu.memory_space<vmem_shared>>)
        tpu.yield
      }) : () -> ()
    } else {
    }
    %dma_start3A = arith.constant 0 : i32
    %dma_start3A_7 = arith.constant 0 : i32
    %dma_start3A_8 = arith.constant 0 : i32
    %dma_start3A_9 = tpu.memref_slice %arg7[%dma_start3A, %dma_start3A_7, %dma_start3A_8] : memref<2x16x125xi32, #tpu.memory_space<vmem>> -> memref<1x16x125xi32, #tpu.memory_space<vmem>>
    %dma_start3A_10 = tpu.memref_squeeze %dma_start3A_9 : memref<1x16x125xi32, #tpu.memory_space<vmem>> -> memref<16x125xi32, #tpu.memory_space<vmem>>
    %dma_start3A_11 = arith.constant 0 : i32
    %dma_start3A_12 = arith.constant 0 : i32
    %dma_start3A_13 = tpu.memref_slice %arg2[%add3A, %dma_start3A_11, %dma_start3A_12] : memref<32x80x125xi32, #tpu.memory_space<hbm>> -> memref<1x16x125xi32, #tpu.memory_space<hbm>>
    %dma_start3A_14 = tpu.memref_squeeze %dma_start3A_13 : memref<1x16x125xi32, #tpu.memory_space<hbm>> -> memref<16x125xi32, #tpu.memory_space<hbm>>
    %dma_start3A_15 = arith.constant 0 : i32
    %dma_start3A_16 = arith.constant 0 : i32
    %dma_start3A_17 = tpu.memref_slice %arg7[%dma_start3A, %dma_start3A_15, %dma_start3A_16] : memref<2x16x125xi32, #tpu.memory_space<vmem>> -> memref<1x16x125xi32, #tpu.memory_space<vmem>>
    %dma_start3A_18 = tpu.memref_squeeze %dma_start3A_17 : memref<1x16x125xi32, #tpu.memory_space<vmem>> -> memref<16x125xi32, #tpu.memory_space<vmem>>
    %dma_start3A_19 = arith.constant 0 : i32
    %dma_start3A_20 = arith.constant 0 : i32
    %dma_start3A_21 = tpu.memref_slice %arg2[%add3A, %dma_start3A_19, %dma_start3A_20] : memref<32x80x125xi32, #tpu.memory_space<hbm>> -> memref<1x16x125xi32, #tpu.memory_space<hbm>>
    %dma_start3A_22 = tpu.memref_squeeze %dma_start3A_21 : memref<1x16x125xi32, #tpu.memory_space<hbm>> -> memref<16x125xi32, #tpu.memory_space<hbm>>
    tpu.enqueue_dma source(%dma_start3A_22 : memref<16x125xi32, #tpu.memory_space<hbm>>) target(%dma_start3A_18 : memref<16x125xi32, #tpu.memory_space<vmem>>) target_semaphore(%arg12 : memref<!tpu.dma_semaphore, #tpu.memory_space<semaphore_mem>>)
    %dma_start3A_23 = arith.constant 0 : i32
    %dma_start3A_24 = arith.constant 0 : i32
    %dma_start3A_25 = arith.constant 0 : i32
    %dma_start3A_26 = tpu.memref_slice %arg8[%dma_start3A_23, %dma_start3A_24, %dma_start3A_25] : memref<2x16x125xi32, #tpu.memory_space<vmem>> -> memref<1x16x125xi32, #tpu.memory_space<vmem>>
    %dma_start3A_27 = tpu.memref_squeeze %dma_start3A_26 : memref<1x16x125xi32, #tpu.memory_space<vmem>> -> memref<16x125xi32, #tpu.memory_space<vmem>>
    %dma_start3A_28 = arith.constant 0 : i32
    %dma_start3A_29 = arith.constant 0 : i32
    %dma_start3A_30 = tpu.memref_slice %arg3[%add3A, %dma_start3A_28, %dma_start3A_29] : memref<32x80x125xi32, #tpu.memory_space<hbm>> -> memref<1x16x125xi32, #tpu.memory_space<hbm>>
    %dma_start3A_31 = tpu.memref_squeeze %dma_start3A_30 : memref<1x16x125xi32, #tpu.memory_space<hbm>> -> memref<16x125xi32, #tpu.memory_space<hbm>>
    %dma_start3A_32 = arith.constant 0 : i32
    %dma_start3A_33 = arith.constant 0 : i32
    %dma_start3A_34 = tpu.memref_slice %arg8[%dma_start3A_23, %dma_start3A_32, %dma_start3A_33] : memref<2x16x125xi32, #tpu.memory_space<vmem>> -> memref<1x16x125xi32, #tpu.memory_space<vmem>>
    %dma_start3A_35 = tpu.memref_squeeze %dma_start3A_34 : memref<1x16x125xi32, #tpu.memory_space<vmem>> -> memref<16x125xi32, #tpu.memory_space<vmem>>
    %dma_start3A_36 = arith.constant 0 : i32
    %dma_start3A_37 = arith.constant 0 : i32
    %dma_start3A_38 = tpu.memref_slice %arg3[%add3A, %dma_start3A_36, %dma_start3A_37] : memref<32x80x125xi32, #tpu.memory_space<hbm>> -> memref<1x16x125xi32, #tpu.memory_space<hbm>>
    %dma_start3A_39 = tpu.memref_squeeze %dma_start3A_38 : memref<1x16x125xi32, #tpu.memory_space<hbm>> -> memref<16x125xi32, #tpu.memory_space<hbm>>
    tpu.enqueue_dma source(%dma_start3A_39 : memref<16x125xi32, #tpu.memory_space<hbm>>) target(%dma_start3A_35 : memref<16x125xi32, #tpu.memory_space<vmem>>) target_semaphore(%arg12 : memref<!tpu.dma_semaphore, #tpu.memory_space<semaphore_mem>>)
    %barrier3A = arith.constant 0 : index
    tpu.barrier barrier_id(%barrier3A)
    %scan3A = arith.constant 0 : i32
    %scan3A_40 = arith.constant 0 : i32
    %scan3A_41 = arith.constant 5 : i32
    %scan3A_42 = arith.addi %scan3A_40, %scan3A_41 : i32
    %scan3A_43 = arith.constant 1 : i32
    scf.for %scan3A_56 = %scan3A_40 to %scan3A_42 step %scan3A_43  : i32 {
      %jit3A = arith.constant 2 : i32
      %eq3A_57 = arith.constant 0 : i32
      %eq3A_58 = arith.cmpi eq, %jit3A, %eq3A_57 : i32
      %jit3A_59 = arith.constant 1 : i32
      %select_n3A = arith.select %eq3A_58, %jit3A_59, %jit3A : i32
      %rem3A = arith.remsi %scan3A_56, %select_n3A : i32
      %ne3A = arith.constant 0 : i32
      %ne3A_60 = arith.cmpi ne, %rem3A, %ne3A : i32
      %lt3A_61 = arith.constant 0 : i32
      %lt3A_62 = arith.cmpi slt, %rem3A, %lt3A_61 : i32
      %lt3A_63 = arith.constant 0 : i32
      %lt3A_64 = arith.cmpi slt, %select_n3A, %lt3A_63 : i32
      %ne3A_65 = arith.xori %lt3A_62, %lt3A_64 : i1
      %and3A = arith.andi %ne3A_65, %ne3A_60 : i1
      %add3A_66 = arith.addi %rem3A, %select_n3A : i32
      %select_n3A_67 = arith.select %and3A, %add3A_66, %rem3A : i32
      %dma_wait3A = arith.constant 0 : i32
      %dma_wait3A_68 = arith.constant 0 : i32
      %dma_wait3A_69 = tpu.memref_slice %arg7[%select_n3A_67, %dma_wait3A, %dma_wait3A_68] : memref<2x16x125xi32, #tpu.memory_space<vmem>> -> memref<1x16x125xi32, #tpu.memory_space<vmem>>
      %dma_wait3A_70 = tpu.memref_squeeze %dma_wait3A_69 : memref<1x16x125xi32, #tpu.memory_space<vmem>> -> memref<16x125xi32, #tpu.memory_space<vmem>>
      %dma_wait3A_71 = arith.constant 0 : i32
      %dma_wait3A_72 = arith.constant 0 : i32
      %dma_wait3A_73 = tpu.memref_slice %arg2[%add3A, %dma_wait3A_71, %dma_wait3A_72] : memref<32x80x125xi32, #tpu.memory_space<hbm>> -> memref<1x16x125xi32, #tpu.memory_space<hbm>>
      %dma_wait3A_74 = tpu.memref_squeeze %dma_wait3A_73 : memref<1x16x125xi32, #tpu.memory_space<hbm>> -> memref<16x125xi32, #tpu.memory_space<hbm>>
      %dma_wait3A_75 = arith.constant 0 : i32
      %dma_wait3A_76 = arith.constant 0 : i32
      %dma_wait3A_77 = tpu.memref_slice %arg7[%select_n3A_67, %dma_wait3A_75, %dma_wait3A_76] : memref<2x16x125xi32, #tpu.memory_space<vmem>> -> memref<1x16x125xi32, #tpu.memory_space<vmem>>
      %dma_wait3A_78 = tpu.memref_squeeze %dma_wait3A_77 : memref<1x16x125xi32, #tpu.memory_space<vmem>> -> memref<16x125xi32, #tpu.memory_space<vmem>>
      %dma_wait3A_79 = arith.constant 0 : i32
      %dma_wait3A_80 = arith.constant 0 : i32
      %dma_wait3A_81 = tpu.memref_slice %arg2[%add3A, %dma_wait3A_79, %dma_wait3A_80] : memref<32x80x125xi32, #tpu.memory_space<hbm>> -> memref<1x16x125xi32, #tpu.memory_space<hbm>>
      %dma_wait3A_82 = tpu.memref_squeeze %dma_wait3A_81 : memref<1x16x125xi32, #tpu.memory_space<hbm>> -> memref<16x125xi32, #tpu.memory_space<hbm>>
      tpu.wait_dma2 semaphore(%arg12 : memref<!tpu.dma_semaphore, #tpu.memory_space<semaphore_mem>>) src(%dma_wait3A_82 : memref<16x125xi32, #tpu.memory_space<hbm>>) dst(%dma_wait3A_78 : memref<16x125xi32, #tpu.memory_space<vmem>>)
      %dma_wait3A_83 = arith.constant 0 : i32
      %dma_wait3A_84 = arith.constant 0 : i32
      %dma_wait3A_85 = tpu.memref_slice %arg8[%select_n3A_67, %dma_wait3A_83, %dma_wait3A_84] : memref<2x16x125xi32, #tpu.memory_space<vmem>> -> memref<1x16x125xi32, #tpu.memory_space<vmem>>
      %dma_wait3A_86 = tpu.memref_squeeze %dma_wait3A_85 : memref<1x16x125xi32, #tpu.memory_space<vmem>> -> memref<16x125xi32, #tpu.memory_space<vmem>>
      %dma_wait3A_87 = arith.constant 0 : i32
      %dma_wait3A_88 = arith.constant 0 : i32
      %dma_wait3A_89 = tpu.memref_slice %arg3[%add3A, %dma_wait3A_87, %dma_wait3A_88] : memref<32x80x125xi32, #tpu.memory_space<hbm>> -> memref<1x16x125xi32, #tpu.memory_space<hbm>>
      %dma_wait3A_90 = tpu.memref_squeeze %dma_wait3A_89 : memref<1x16x125xi32, #tpu.memory_space<hbm>> -> memref<16x125xi32, #tpu.memory_space<hbm>>
      %dma_wait3A_91 = arith.constant 0 : i32
      %dma_wait3A_92 = arith.constant 0 : i32
      %dma_wait3A_93 = tpu.memref_slice %arg8[%select_n3A_67, %dma_wait3A_91, %dma_wait3A_92] : memref<2x16x125xi32, #tpu.memory_space<vmem>> -> memref<1x16x125xi32, #tpu.memory_space<vmem>>
      %dma_wait3A_94 = tpu.memref_squeeze %dma_wait3A_93 : memref<1x16x125xi32, #tpu.memory_space<vmem>> -> memref<16x125xi32, #tpu.memory_space<vmem>>
      %dma_wait3A_95 = arith.constant 0 : i32
      %dma_wait3A_96 = arith.constant 0 : i32
      %dma_wait3A_97 = tpu.memref_slice %arg3[%add3A, %dma_wait3A_95, %dma_wait3A_96] : memref<32x80x125xi32, #tpu.memory_space<hbm>> -> memref<1x16x125xi32, #tpu.memory_space<hbm>>
      %dma_wait3A_98 = tpu.memref_squeeze %dma_wait3A_97 : memref<1x16x125xi32, #tpu.memory_space<hbm>> -> memref<16x125xi32, #tpu.memory_space<hbm>>
      tpu.wait_dma2 semaphore(%arg12 : memref<!tpu.dma_semaphore, #tpu.memory_space<semaphore_mem>>) src(%dma_wait3A_98 : memref<16x125xi32, #tpu.memory_space<hbm>>) dst(%dma_wait3A_94 : memref<16x125xi32, #tpu.memory_space<vmem>>)
      %lt3A_99 = arith.constant 4 : i32
      %lt3A_100 = arith.cmpi slt, %scan3A_56, %lt3A_99 : i32
      %convert_element_type3A_101 = arith.extui %lt3A_100 : i1 to i32
      %cond3A_102 = arith.constant 0 : i32
      %cond3A_103 = arith.cmpi ne, %convert_element_type3A_101, %cond3A_102 : i32
      scf.if %cond3A_103 {
        %add3A_122 = arith.constant 1 : i32
        %add3A_123 = arith.addi %scan3A_56, %add3A_122 : i32
        %mul3A_124 = arith.constant 16 : i32
        %mul3A_125 = arith.muli %add3A_123, %mul3A_124 : i32
        %multiple_of3A = tpu.assume_multiple %mul3A_125, 8 : i32
        %add3A_126 = arith.constant 1 : i32
        %add3A_127 = arith.addi %scan3A_56, %add3A_126 : i32
        %jit3A_128 = arith.constant 2 : i32
        %eq3A_129 = arith.constant 0 : i32
        %eq3A_130 = arith.cmpi eq, %jit3A_128, %eq3A_129 : i32
        %jit3A_131 = arith.constant 1 : i32
        %select_n3A_132 = arith.select %eq3A_130, %jit3A_131, %jit3A_128 : i32
        %rem3A_133 = arith.remsi %add3A_127, %select_n3A_132 : i32
        %ne3A_134 = arith.constant 0 : i32
        %ne3A_135 = arith.cmpi ne, %rem3A_133, %ne3A_134 : i32
        %lt3A_136 = arith.constant 0 : i32
        %lt3A_137 = arith.cmpi slt, %rem3A_133, %lt3A_136 : i32
        %lt3A_138 = arith.constant 0 : i32
        %lt3A_139 = arith.cmpi slt, %select_n3A_132, %lt3A_138 : i32
        %ne3A_140 = arith.xori %lt3A_137, %lt3A_139 : i1
        %and3A_141 = arith.andi %ne3A_140, %ne3A_135 : i1
        %add3A_142 = arith.addi %rem3A_133, %select_n3A_132 : i32
        %select_n3A_143 = arith.select %and3A_141, %add3A_142, %rem3A_133 : i32
        %dma_start3A_144 = arith.constant 0 : i32
        %dma_start3A_145 = arith.constant 0 : i32
        %dma_start3A_146 = tpu.memref_slice %arg7[%select_n3A_143, %dma_start3A_144, %dma_start3A_145] : memref<2x16x125xi32, #tpu.memory_space<vmem>> -> memref<1x16x125xi32, #tpu.memory_space<vmem>>
        %dma_start3A_147 = tpu.memref_squeeze %dma_start3A_146 : memref<1x16x125xi32, #tpu.memory_space<vmem>> -> memref<16x125xi32, #tpu.memory_space<vmem>>
        %dma_start3A_148 = arith.constant 0 : i32
        %dma_start3A_149 = tpu.memref_slice %arg2[%add3A, %multiple_of3A, %dma_start3A_148] : memref<32x80x125xi32, #tpu.memory_space<hbm>> -> memref<1x16x125xi32, #tpu.memory_space<hbm>>
        %dma_start3A_150 = tpu.memref_squeeze %dma_start3A_149 : memref<1x16x125xi32, #tpu.memory_space<hbm>> -> memref<16x125xi32, #tpu.memory_space<hbm>>
        %dma_start3A_151 = arith.constant 0 : i32
        %dma_start3A_152 = arith.constant 0 : i32
        %dma_start3A_153 = tpu.memref_slice %arg7[%select_n3A_143, %dma_start3A_151, %dma_start3A_152] : memref<2x16x125xi32, #tpu.memory_space<vmem>> -> memref<1x16x125xi32, #tpu.memory_space<vmem>>
        %dma_start3A_154 = tpu.memref_squeeze %dma_start3A_153 : memref<1x16x125xi32, #tpu.memory_space<vmem>> -> memref<16x125xi32, #tpu.memory_space<vmem>>
        %dma_start3A_155 = arith.constant 0 : i32
        %dma_start3A_156 = tpu.memref_slice %arg2[%add3A, %multiple_of3A, %dma_start3A_155] : memref<32x80x125xi32, #tpu.memory_space<hbm>> -> memref<1x16x125xi32, #tpu.memory_space<hbm>>
        %dma_start3A_157 = tpu.memref_squeeze %dma_start3A_156 : memref<1x16x125xi32, #tpu.memory_space<hbm>> -> memref<16x125xi32, #tpu.memory_space<hbm>>
        tpu.enqueue_dma source(%dma_start3A_157 : memref<16x125xi32, #tpu.memory_space<hbm>>) target(%dma_start3A_154 : memref<16x125xi32, #tpu.memory_space<vmem>>) target_semaphore(%arg12 : memref<!tpu.dma_semaphore, #tpu.memory_space<semaphore_mem>>)
        %add3A_158 = arith.constant 1 : i32
        %add3A_159 = arith.addi %scan3A_56, %add3A_158 : i32
        %jit3A_160 = arith.constant 2 : i32
        %eq3A_161 = arith.constant 0 : i32
        %eq3A_162 = arith.cmpi eq, %jit3A_160, %eq3A_161 : i32
        %jit3A_163 = arith.constant 1 : i32
        %select_n3A_164 = arith.select %eq3A_162, %jit3A_163, %jit3A_160 : i32
        %rem3A_165 = arith.remsi %add3A_159, %select_n3A_164 : i32
        %ne3A_166 = arith.constant 0 : i32
        %ne3A_167 = arith.cmpi ne, %rem3A_165, %ne3A_166 : i32
        %lt3A_168 = arith.constant 0 : i32
        %lt3A_169 = arith.cmpi slt, %rem3A_165, %lt3A_168 : i32
        %lt3A_170 = arith.constant 0 : i32
        %lt3A_171 = arith.cmpi slt, %select_n3A_164, %lt3A_170 : i32
        %ne3A_172 = arith.xori %lt3A_169, %lt3A_171 : i1
        %and3A_173 = arith.andi %ne3A_172, %ne3A_167 : i1
        %add3A_174 = arith.addi %rem3A_165, %select_n3A_164 : i32
        %select_n3A_175 = arith.select %and3A_173, %add3A_174, %rem3A_165 : i32
        %dma_start3A_176 = arith.constant 0 : i32
        %dma_start3A_177 = arith.constant 0 : i32
        %dma_start3A_178 = tpu.memref_slice %arg8[%select_n3A_175, %dma_start3A_176, %dma_start3A_177] : memref<2x16x125xi32, #tpu.memory_space<vmem>> -> memref<1x16x125xi32, #tpu.memory_space<vmem>>
        %dma_start3A_179 = tpu.memref_squeeze %dma_start3A_178 : memref<1x16x125xi32, #tpu.memory_space<vmem>> -> memref<16x125xi32, #tpu.memory_space<vmem>>
        %dma_start3A_180 = arith.constant 0 : i32
        %dma_start3A_181 = tpu.memref_slice %arg3[%add3A, %multiple_of3A, %dma_start3A_180] : memref<32x80x125xi32, #tpu.memory_space<hbm>> -> memref<1x16x125xi32, #tpu.memory_space<hbm>>
        %dma_start3A_182 = tpu.memref_squeeze %dma_start3A_181 : memref<1x16x125xi32, #tpu.memory_space<hbm>> -> memref<16x125xi32, #tpu.memory_space<hbm>>
        %dma_start3A_183 = arith.constant 0 : i32
        %dma_start3A_184 = arith.constant 0 : i32
        %dma_start3A_185 = tpu.memref_slice %arg8[%select_n3A_175, %dma_start3A_183, %dma_start3A_184] : memref<2x16x125xi32, #tpu.memory_space<vmem>> -> memref<1x16x125xi32, #tpu.memory_space<vmem>>
        %dma_start3A_186 = tpu.memref_squeeze %dma_start3A_185 : memref<1x16x125xi32, #tpu.memory_space<vmem>> -> memref<16x125xi32, #tpu.memory_space<vmem>>
        %dma_start3A_187 = arith.constant 0 : i32
        %dma_start3A_188 = tpu.memref_slice %arg3[%add3A, %multiple_of3A, %dma_start3A_187] : memref<32x80x125xi32, #tpu.memory_space<hbm>> -> memref<1x16x125xi32, #tpu.memory_space<hbm>>
        %dma_start3A_189 = tpu.memref_squeeze %dma_start3A_188 : memref<1x16x125xi32, #tpu.memory_space<hbm>> -> memref<16x125xi32, #tpu.memory_space<hbm>>
        tpu.enqueue_dma source(%dma_start3A_189 : memref<16x125xi32, #tpu.memory_space<hbm>>) target(%dma_start3A_186 : memref<16x125xi32, #tpu.memory_space<vmem>>) target_semaphore(%arg12 : memref<!tpu.dma_semaphore, #tpu.memory_space<semaphore_mem>>)
      } else {
      }
      %dma_start3A_104 = arith.constant 0 : i32
      %dma_start3A_105 = arith.constant 0 : i32
      %dma_start3A_106 = arith.constant 0 : i32
      %dma_start3A_107 = arith.constant 0 : i32
      %dma_start3A_108 = tpu.memref_slice %arg9[%dma_start3A_105, %dma_start3A_106, %dma_start3A_107] : memref<2x125x128xf32, #tpu.memory_space<vmem>> -> memref<1x125x128xf32, #tpu.memory_space<vmem>>
      %dma_start3A_109 = tpu.memref_squeeze %dma_start3A_108 : memref<1x125x128xf32, #tpu.memory_space<vmem>> -> memref<125x128xf32, #tpu.memory_space<vmem>>
      %dma_start3A_110 = arith.constant 0 : i32
      %dma_start3A_111 = tpu.memref_slice %arg7[%select_n3A_67, %dma_start3A_104, %dma_start3A_110] : memref<2x16x125xi32, #tpu.memory_space<vmem>> -> memref<1x1x125xi32, #tpu.memory_space<vmem>>
      %dma_start3A_112 = tpu.memref_squeeze %dma_start3A_111 : memref<1x1x125xi32, #tpu.memory_space<vmem>> -> memref<125xi32, #tpu.memory_space<vmem>>
      %dma_start3A_113 = arith.constant 0 : i32
      %dma_start3A_114 = arith.constant 0 : i32
      %dma_start3A_115 = tpu.memref_slice %arg4[%dma_start3A_113, %dma_start3A_114] : memref<10000x128xf32, #tpu.memory_space<hbm>> -> memref<10000x128xf32, #tpu.memory_space<hbm>>
      tpu.enqueue_indirect_dma source(%dma_start3A_115 : memref<10000x128xf32, #tpu.memory_space<hbm>>) target(%dma_start3A_109 : memref<125x128xf32, #tpu.memory_space<vmem>>) offsets(%dma_start3A_112 : memref<125xi32, #tpu.memory_space<vmem>>) semaphore(%arg11 : memref<!tpu.dma_semaphore, #tpu.memory_space<semaphore_mem>>)
      %scan3A_116 = arith.constant 0 : i32
      %scan3A_117 = arith.constant 0 : i32
      %scan3A_118 = arith.constant 16 : i32
      %scan3A_119 = arith.addi %scan3A_117, %scan3A_118 : i32
      %scan3A_120 = arith.constant 1 : i32
      scf.for %scan3A_122 = %scan3A_117 to %scan3A_119 step %scan3A_120  : i32 {
        %lt3A_123 = arith.constant 15 : i32
        %lt3A_124 = arith.cmpi slt, %scan3A_122, %lt3A_123 : i32
        %convert_element_type3A_125 = arith.extui %lt3A_124 : i1 to i32
        %cond3A_126 = arith.constant 0 : i32
        %cond3A_127 = arith.cmpi ne, %convert_element_type3A_125, %cond3A_126 : i32
        scf.if %cond3A_127 {
          %add3A_171 = arith.constant 1 : i32
          %add3A_172 = arith.addi %scan3A_122, %add3A_171 : i32
          %add3A_173 = arith.constant 1 : i32
          %add3A_174 = arith.addi %scan3A_122, %add3A_173 : i32
          %jit3A_175 = arith.constant 2 : i32
          %eq3A_176 = arith.constant 0 : i32
          %eq3A_177 = arith.cmpi eq, %jit3A_175, %eq3A_176 : i32
          %jit3A_178 = arith.constant 1 : i32
          %select_n3A_179 = arith.select %eq3A_177, %jit3A_178, %jit3A_175 : i32
          %rem3A_180 = arith.remsi %add3A_174, %select_n3A_179 : i32
          %ne3A_181 = arith.constant 0 : i32
          %ne3A_182 = arith.cmpi ne, %rem3A_180, %ne3A_181 : i32
          %lt3A_183 = arith.constant 0 : i32
          %lt3A_184 = arith.cmpi slt, %rem3A_180, %lt3A_183 : i32
          %lt3A_185 = arith.constant 0 : i32
          %lt3A_186 = arith.cmpi slt, %select_n3A_179, %lt3A_185 : i32
          %ne3A_187 = arith.xori %lt3A_184, %lt3A_186 : i1
          %and3A_188 = arith.andi %ne3A_187, %ne3A_182 : i1
          %add3A_189 = arith.addi %rem3A_180, %select_n3A_179 : i32
          %select_n3A_190 = arith.select %and3A_188, %add3A_189, %rem3A_180 : i32
          %dma_start3A_191 = arith.constant 0 : i32
          %dma_start3A_192 = arith.constant 0 : i32
          %dma_start3A_193 = tpu.memref_slice %arg9[%select_n3A_190, %dma_start3A_191, %dma_start3A_192] : memref<2x125x128xf32, #tpu.memory_space<vmem>> -> memref<1x125x128xf32, #tpu.memory_space<vmem>>
          %dma_start3A_194 = tpu.memref_squeeze %dma_start3A_193 : memref<1x125x128xf32, #tpu.memory_space<vmem>> -> memref<125x128xf32, #tpu.memory_space<vmem>>
          %dma_start3A_195 = arith.constant 0 : i32
          %dma_start3A_196 = tpu.memref_slice %arg7[%select_n3A_67, %add3A_172, %dma_start3A_195] : memref<2x16x125xi32, #tpu.memory_space<vmem>> -> memref<1x1x125xi32, #tpu.memory_space<vmem>>
          %dma_start3A_197 = tpu.memref_squeeze %dma_start3A_196 : memref<1x1x125xi32, #tpu.memory_space<vmem>> -> memref<125xi32, #tpu.memory_space<vmem>>
          %dma_start3A_198 = arith.constant 0 : i32
          %dma_start3A_199 = arith.constant 0 : i32
          %dma_start3A_200 = tpu.memref_slice %arg4[%dma_start3A_198, %dma_start3A_199] : memref<10000x128xf32, #tpu.memory_space<hbm>> -> memref<10000x128xf32, #tpu.memory_space<hbm>>
          tpu.enqueue_indirect_dma source(%dma_start3A_200 : memref<10000x128xf32, #tpu.memory_space<hbm>>) target(%dma_start3A_194 : memref<125x128xf32, #tpu.memory_space<vmem>>) offsets(%dma_start3A_197 : memref<125xi32, #tpu.memory_space<vmem>>) semaphore(%arg11 : memref<!tpu.dma_semaphore, #tpu.memory_space<semaphore_mem>>)
        } else {
        }
        %jit3A_128 = arith.constant 2 : i32
        %eq3A_129 = arith.constant 0 : i32
        %eq3A_130 = arith.cmpi eq, %jit3A_128, %eq3A_129 : i32
        %jit3A_131 = arith.constant 1 : i32
        %select_n3A_132 = arith.select %eq3A_130, %jit3A_131, %jit3A_128 : i32
        %rem3A_133 = arith.remsi %scan3A_122, %select_n3A_132 : i32
        %ne3A_134 = arith.constant 0 : i32
        %ne3A_135 = arith.cmpi ne, %rem3A_133, %ne3A_134 : i32
        %lt3A_136 = arith.constant 0 : i32
        %lt3A_137 = arith.cmpi slt, %rem3A_133, %lt3A_136 : i32
        %lt3A_138 = arith.constant 0 : i32
        %lt3A_139 = arith.cmpi slt, %select_n3A_132, %lt3A_138 : i32
        %ne3A_140 = arith.xori %lt3A_137, %lt3A_139 : i1
        %and3A_141 = arith.andi %ne3A_140, %ne3A_135 : i1
        %add3A_142 = arith.addi %rem3A_133, %select_n3A_132 : i32
        %select_n3A_143 = arith.select %and3A_141, %add3A_142, %rem3A_133 : i32
        %dma_wait3A_144 = arith.constant 0 : i32
        %dma_wait3A_145 = arith.constant 0 : i32
        %dma_wait3A_146 = arith.constant 0 : i32
        %dma_wait3A_147 = tpu.memref_slice %arg9[%select_n3A_143, %dma_wait3A_145, %dma_wait3A_146] : memref<2x125x128xf32, #tpu.memory_space<vmem>> -> memref<1x125x128xf32, #tpu.memory_space<vmem>>
        %dma_wait3A_148 = tpu.memref_squeeze %dma_wait3A_147 : memref<1x125x128xf32, #tpu.memory_space<vmem>> -> memref<125x128xf32, #tpu.memory_space<vmem>>
        %dma_wait3A_149 = arith.constant 0 : i32
        %dma_wait3A_150 = tpu.memref_slice %arg7[%select_n3A_67, %dma_wait3A_144, %dma_wait3A_149] : memref<2x16x125xi32, #tpu.memory_space<vmem>> -> memref<1x1x125xi32, #tpu.memory_space<vmem>>
        %dma_wait3A_151 = tpu.memref_squeeze %dma_wait3A_150 : memref<1x1x125xi32, #tpu.memory_space<vmem>> -> memref<125xi32, #tpu.memory_space<vmem>>
        %dma_wait3A_152 = arith.constant 0 : i32
        %dma_wait3A_153 = arith.constant 0 : i32
        %dma_wait3A_154 = tpu.memref_slice %arg4[%dma_wait3A_152, %dma_wait3A_153] : memref<10000x128xf32, #tpu.memory_space<hbm>> -> memref<10000x128xf32, #tpu.memory_space<hbm>>
        tpu.wait_indirect_dma semaphore(%arg11 : memref<!tpu.dma_semaphore, #tpu.memory_space<semaphore_mem>>) src(%dma_wait3A_154 : memref<10000x128xf32, #tpu.memory_space<hbm>>) dst(%dma_wait3A_148 : memref<125x128xf32, #tpu.memory_space<vmem>>)
        %jit3A_155 = arith.constant 2 : i32
        %eq3A_156 = arith.constant 0 : i32
        %eq3A_157 = arith.cmpi eq, %jit3A_155, %eq3A_156 : i32
        %jit3A_158 = arith.constant 1 : i32
        %select_n3A_159 = arith.select %eq3A_157, %jit3A_158, %jit3A_155 : i32
        %rem3A_160 = arith.remsi %scan3A_122, %select_n3A_159 : i32
        %ne3A_161 = arith.constant 0 : i32
        %ne3A_162 = arith.cmpi ne, %rem3A_160, %ne3A_161 : i32
        %lt3A_163 = arith.constant 0 : i32
        %lt3A_164 = arith.cmpi slt, %rem3A_160, %lt3A_163 : i32
        %lt3A_165 = arith.constant 0 : i32
        %lt3A_166 = arith.cmpi slt, %select_n3A_159, %lt3A_165 : i32
        %ne3A_167 = arith.xori %lt3A_164, %lt3A_166 : i1
        %and3A_168 = arith.andi %ne3A_167, %ne3A_162 : i1
        %add3A_169 = arith.addi %rem3A_160, %select_n3A_159 : i32
        %select_n3A_170 = arith.select %and3A_168, %add3A_169, %rem3A_160 : i32
        "tpu.region"() ({
          %run_scoped3A = tpu.sem_alloc : memref<!tpu.dma_semaphore, #tpu.memory_space<semaphore_mem>>
          %dma_start3A_171 = arith.constant 0 : i32
          %dma_start3A_172 = arith.constant 0 : i32
          %dma_start3A_173 = tpu.memref_slice %arg9[%select_n3A_170, %dma_start3A_171, %dma_start3A_172] : memref<2x125x128xf32, #tpu.memory_space<vmem>> -> memref<1x125x128xf32, #tpu.memory_space<vmem>>
          %dma_start3A_174 = tpu.memref_squeeze %dma_start3A_173 : memref<1x125x128xf32, #tpu.memory_space<vmem>> -> memref<125x128xf32, #tpu.memory_space<vmem>>
          %dma_start3A_175 = arith.constant 0 : i32
          %dma_start3A_176 = tpu.memref_slice %arg8[%select_n3A_67, %scan3A_122, %dma_start3A_175] : memref<2x16x125xi32, #tpu.memory_space<vmem>> -> memref<1x1x125xi32, #tpu.memory_space<vmem>>
          %dma_start3A_177 = tpu.memref_squeeze %dma_start3A_176 : memref<1x1x125xi32, #tpu.memory_space<vmem>> -> memref<125xi32, #tpu.memory_space<vmem>>
          %dma_start3A_178 = arith.constant 0 : i32
          %dma_start3A_179 = arith.constant 0 : i32
          %dma_start3A_180 = tpu.memref_slice %arg10[%dma_start3A_178, %dma_start3A_179] : memref<10000x128xf32, #tpu.memory_space<vmem_shared>> -> memref<10000x128xf32, #tpu.memory_space<vmem_shared>>
          tpu.enqueue_indirect_dma source(%dma_start3A_174 : memref<125x128xf32, #tpu.memory_space<vmem>>) target(%dma_start3A_180 : memref<10000x128xf32, #tpu.memory_space<vmem_shared>>) offsets(%dma_start3A_177 : memref<125xi32, #tpu.memory_space<vmem>>) semaphore(%run_scoped3A : memref<!tpu.dma_semaphore, #tpu.memory_space<semaphore_mem>>) {add = true}
          %dma_wait3A_181 = arith.constant 0 : i32
          %dma_wait3A_182 = arith.constant 0 : i32
          %dma_wait3A_183 = tpu.memref_slice %arg9[%select_n3A_170, %dma_wait3A_181, %dma_wait3A_182] : memref<2x125x128xf32, #tpu.memory_space<vmem>> -> memref<1x125x128xf32, #tpu.memory_space<vmem>>
          %dma_wait3A_184 = tpu.memref_squeeze %dma_wait3A_183 : memref<1x125x128xf32, #tpu.memory_space<vmem>> -> memref<125x128xf32, #tpu.memory_space<vmem>>
          %dma_wait3A_185 = arith.constant 0 : i32
          %dma_wait3A_186 = tpu.memref_slice %arg8[%select_n3A_67, %scan3A_122, %dma_wait3A_185] : memref<2x16x125xi32, #tpu.memory_space<vmem>> -> memref<1x1x125xi32, #tpu.memory_space<vmem>>
          %dma_wait3A_187 = tpu.memref_squeeze %dma_wait3A_186 : memref<1x1x125xi32, #tpu.memory_space<vmem>> -> memref<125xi32, #tpu.memory_space<vmem>>
          %dma_wait3A_188 = arith.constant 0 : i32
          %dma_wait3A_189 = arith.constant 0 : i32
          %dma_wait3A_190 = tpu.memref_slice %arg10[%dma_wait3A_188, %dma_wait3A_189] : memref<10000x128xf32, #tpu.memory_space<vmem_shared>> -> memref<10000x128xf32, #tpu.memory_space<vmem_shared>>
          tpu.wait_indirect_dma semaphore(%run_scoped3A : memref<!tpu.dma_semaphore, #tpu.memory_space<semaphore_mem>>) src(%dma_wait3A_184 : memref<125x128xf32, #tpu.memory_space<vmem>>) dst(%dma_wait3A_190 : memref<10000x128xf32, #tpu.memory_space<vmem_shared>>)
          tpu.yield
        }) : () -> ()
      }
      %scan3A_121 = arith.constant 16 : i32
    }
    %scan3A_44 = arith.constant 5 : i32
    %barrier3A_45 = arith.constant 0 : index
    tpu.barrier barrier_id(%barrier3A_45)
    %lt3A_46 = arith.constant 15 : i32
    %lt3A_47 = arith.cmpi slt, %arg1, %lt3A_46 : i32
    %convert_element_type3A_48 = arith.extui %lt3A_47 : i1 to i32
    %cond3A_49 = arith.constant 0 : i32
    %cond3A_50 = arith.cmpi ne, %convert_element_type3A_48, %cond3A_49 : i32
    scf.if %cond3A_50 {
      %mul3A_56 = arith.constant 632 : i32
      %mul3A_57 = arith.muli %arg1, %mul3A_56 : i32
      %multiple_of3A = tpu.assume_multiple %mul3A_57, 8 : i32
      "tpu.region"() ({
        %run_scoped3A = tpu.sem_alloc : memref<!tpu.dma_semaphore, #tpu.memory_space<semaphore_mem>>
        %dma_start3A_58 = arith.constant 0 : i32
        %dma_start3A_59 = tpu.memref_slice %arg6[%arg0, %multiple_of3A, %dma_start3A_58] : memref<2x10000x128xf32, #tpu.memory_space<hbm>> -> memref<1x632x128xf32, #tpu.memory_space<hbm>>
        %dma_start3A_60 = tpu.memref_squeeze %dma_start3A_59 : memref<1x632x128xf32, #tpu.memory_space<hbm>> -> memref<632x128xf32, #tpu.memory_space<hbm>>
        %dma_start3A_61 = arith.constant 0 : i32
        %dma_start3A_62 = tpu.memref_slice %arg10[%multiple_of3A, %dma_start3A_61] : memref<10000x128xf32, #tpu.memory_space<vmem_shared>> -> memref<632x128xf32, #tpu.memory_space<vmem_shared>>
        tpu.enqueue_dma source(%dma_start3A_62 : memref<632x128xf32, #tpu.memory_space<vmem_shared>>) target(%dma_start3A_60 : memref<632x128xf32, #tpu.memory_space<hbm>>) target_semaphore(%run_scoped3A : memref<!tpu.dma_semaphore, #tpu.memory_space<semaphore_mem>>)
        %dma_wait3A = arith.constant 0 : i32
        %dma_wait3A_63 = tpu.memref_slice %arg6[%arg0, %multiple_of3A, %dma_wait3A] : memref<2x10000x128xf32, #tpu.memory_space<hbm>> -> memref<1x632x128xf32, #tpu.memory_space<hbm>>
        %dma_wait3A_64 = tpu.memref_squeeze %dma_wait3A_63 : memref<1x632x128xf32, #tpu.memory_space<hbm>> -> memref<632x128xf32, #tpu.memory_space<hbm>>
        %dma_wait3A_65 = arith.constant 0 : i32
        %dma_wait3A_66 = tpu.memref_slice %arg10[%multiple_of3A, %dma_wait3A_65] : memref<10000x128xf32, #tpu.memory_space<vmem_shared>> -> memref<632x128xf32, #tpu.memory_space<vmem_shared>>
        tpu.wait_dma2 semaphore(%run_scoped3A : memref<!tpu.dma_semaphore, #tpu.memory_space<semaphore_mem>>) src(%dma_wait3A_66 : memref<632x128xf32, #tpu.memory_space<vmem_shared>>) dst(%dma_wait3A_64 : memref<632x128xf32, #tpu.memory_space<hbm>>)
        tpu.yield
      }) : () -> ()
    } else {
    }
    %eq3A_51 = arith.constant 15 : i32
    %eq3A_52 = arith.cmpi eq, %arg1, %eq3A_51 : i32
    %convert_element_type3A_53 = arith.extui %eq3A_52 : i1 to i32
    %cond3A_54 = arith.constant 0 : i32
    %cond3A_55 = arith.cmpi ne, %convert_element_type3A_53, %cond3A_54 : i32
    scf.if %cond3A_55 {
      "tpu.region"() ({
        %run_scoped3A = tpu.sem_alloc : memref<!tpu.dma_semaphore, #tpu.memory_space<semaphore_mem>>
        %dma_start3A_56 = arith.constant 9480 : i32
        %dma_start3A_57 = arith.constant 0 : i32
        %dma_start3A_58 = tpu.memref_slice %arg6[%arg0, %dma_start3A_56, %dma_start3A_57] : memref<2x10000x128xf32, #tpu.memory_space<hbm>> -> memref<1x520x128xf32, #tpu.memory_space<hbm>>
        %dma_start3A_59 = tpu.memref_squeeze %dma_start3A_58 : memref<1x520x128xf32, #tpu.memory_space<hbm>> -> memref<520x128xf32, #tpu.memory_space<hbm>>
        %dma_start3A_60 = arith.constant 9480 : i32
        %dma_start3A_61 = arith.constant 0 : i32
        %dma_start3A_62 = tpu.memref_slice %arg10[%dma_start3A_60, %dma_start3A_61] : memref<10000x128xf32, #tpu.memory_space<vmem_shared>> -> memref<520x128xf32, #tpu.memory_space<vmem_shared>>
        tpu.enqueue_dma source(%dma_start3A_62 : memref<520x128xf32, #tpu.memory_space<vmem_shared>>) target(%dma_start3A_59 : memref<520x128xf32, #tpu.memory_space<hbm>>) target_semaphore(%run_scoped3A : memref<!tpu.dma_semaphore, #tpu.memory_space<semaphore_mem>>)
        %dma_wait3A = arith.constant 9480 : i32
        %dma_wait3A_63 = arith.constant 0 : i32
        %dma_wait3A_64 = tpu.memref_slice %arg6[%arg0, %dma_wait3A, %dma_wait3A_63] : memref<2x10000x128xf32, #tpu.memory_space<hbm>> -> memref<1x520x128xf32, #tpu.memory_space<hbm>>
        %dma_wait3A_65 = tpu.memref_squeeze %dma_wait3A_64 : memref<1x520x128xf32, #tpu.memory_space<hbm>> -> memref<520x128xf32, #tpu.memory_space<hbm>>
        %dma_wait3A_66 = arith.constant 9480 : i32
        %dma_wait3A_67 = arith.constant 0 : i32
        %dma_wait3A_68 = tpu.memref_slice %arg10[%dma_wait3A_66, %dma_wait3A_67] : memref<10000x128xf32, #tpu.memory_space<vmem_shared>> -> memref<520x128xf32, #tpu.memory_space<vmem_shared>>
        tpu.wait_dma2 semaphore(%run_scoped3A : memref<!tpu.dma_semaphore, #tpu.memory_space<semaphore_mem>>) src(%dma_wait3A_68 : memref<520x128xf32, #tpu.memory_space<vmem_shared>>) dst(%dma_wait3A_65 : memref<520x128xf32, #tpu.memory_space<hbm>>)
        tpu.yield
      }) : () -> ()
    } else {
    }
    return
  }
}

module attributes {stable_mosaic.version = 14 : i64} {
  func.func @_matmul_body(%arg0: memref<10000x128xf32, #tpu.memory_space<vmem>>, %arg1: memref<128x128xf32, #tpu.memory_space<vmem>>, %arg2: memref<10000x128xf32, #tpu.memory_space<vmem>>) attributes {dimension_semantics = [], scalar_prefetch = 0 : i64, scratch_operands = 0 : i64, tpu.core_type = #tpu.core_type<tc>} {
    %get3A = arith.constant 0 : index
    %get3A_0 = arith.constant 0 : index
    %get3A_1 = vector.load %arg0[%get3A, %get3A_0] : memref<10000x128xf32, #tpu.memory_space<vmem>>, vector<10000x128xf32>
    %get3A_2 = arith.constant 0 : index
    %get3A_3 = arith.constant 0 : index
    %get3A_4 = vector.load %arg1[%get3A_2, %get3A_3] : memref<128x128xf32, #tpu.memory_space<vmem>>, vector<128x128xf32>
    %dot_general3A = arith.constant dense<0.000000e+00> : vector<10000x128xf32>
    %dot_general3A_5 = tpu.matmul %get3A_1, %get3A_4, %dot_general3A {dimension_numbers = #tpu.dot_dimension_numbers<[1], [0], [0], [1], [0, 0, 1, 1], [], []>, transpose_lhs_hint = false} : vector<10000x128xf32>, vector<128x128xf32>, vector<10000x128xf32> -> vector<10000x128xf32>
    %swap3A = arith.constant 0 : index
    %swap3A_6 = arith.constant 0 : index
    %swap3A_7 = vector.load %arg2[%swap3A, %swap3A_6] : memref<10000x128xf32, #tpu.memory_space<vmem>>, vector<10000x128xf32>
    tpu.vector_store %arg2[%swap3A, %swap3A_6], %dot_general3A_5 {strides = array<i32>} : memref<10000x128xf32, #tpu.memory_space<vmem>>, vector<10000x128xf32>,
    return
  }
}

module attributes {stable_mosaic.version = 14 : i64} {
  func.func @_combine_body(%arg0: memref<2x10000x128xf32, #tpu.memory_space<vmem>>, %arg1: memref<10000x1xf32, #tpu.memory_space<vmem>>, %arg2: memref<10000x1xf32, #tpu.memory_space<vmem>>, %arg3: memref<1x128xf32, #tpu.memory_space<vmem>>, %arg4: memref<10000x128xf32, #tpu.memory_space<vmem>>) attributes {dimension_semantics = [], scalar_prefetch = 0 : i64, scratch_operands = 0 : i64, tpu.core_type = #tpu.core_type<tc>} {
    %get3A = arith.constant 0 : index
    %get3A_0 = arith.constant 0 : index
    %get3A_1 = vector.load %arg1[%get3A, %get3A_0] : memref<10000x1xf32, #tpu.memory_space<vmem>>, vector<10000x1xf32>
    %get3A_2 = arith.constant 0 : index
    %get3A_3 = arith.constant 0 : index
    %get3A_4 = vector.load %arg2[%get3A_2, %get3A_3] : memref<10000x1xf32, #tpu.memory_space<vmem>>, vector<10000x1xf32>
    %add3A = arith.addf %get3A_1, %get3A_4 : vector<10000x1xf32>
    %gt3A = arith.constant 0.000000e+00 : f32
    %gt3A_5 = vector.broadcast %gt3A : f32 to vector<10000x1xf32>
    %gt3A_6 = arith.cmpf ogt, %add3A, %gt3A_5 : vector<10000x1xf32>
    %gt3A_7 = arith.constant 0.000000e+00 : f32
    %gt3A_8 = vector.broadcast %gt3A_7 : f32 to vector<10000x1xf32>
    %gt3A_9 = arith.cmpf ogt, %add3A, %gt3A_8 : vector<10000x1xf32>
    %jit3A = arith.constant 1.000000e+00 : f32
    %broadcast_in_dim3A = vector.broadcast %jit3A : f32 to vector<10000x1xf32>
    %select_n3A = arith.select %gt3A_9, %add3A, %broadcast_in_dim3A : vector<10000x1xi1>, vector<10000x1xf32>
    %div3A = arith.constant 1.000000e+00 : f32
    %div3A_10 = vector.broadcast %div3A : f32 to vector<10000x1xf32>
    %div3A_11 = arith.divf %div3A_10, %select_n3A : vector<10000x1xf32>
    %jit3A_12 = arith.constant 0.000000e+00 : f32
    %broadcast_in_dim3A_13 = vector.broadcast %jit3A_12 : f32 to vector<10000x1xf32>
    %select_n3A_14 = arith.select %gt3A_6, %div3A_11, %broadcast_in_dim3A_13 : vector<10000x1xi1>, vector<10000x1xf32>
    %get3A_15 = arith.constant 0 : index
    %get3A_16 = arith.constant 0 : index
    %get3A_17 = arith.constant 0 : index
    %get3A_18 = vector.load %arg0[%get3A_15, %get3A_16, %get3A_17] : memref<2x10000x128xf32, #tpu.memory_space<vmem>>, vector<1x10000x128xf32>
    %get3A_19 = vector.shape_cast %get3A_18 : vector<1x10000x128xf32> to vector<10000x128xf32>
    %get3A_20 = arith.constant 1 : index
    %get3A_21 = arith.constant 0 : index
    %get3A_22 = arith.constant 0 : index
    %get3A_23 = vector.load %arg0[%get3A_20, %get3A_21, %get3A_22] : memref<2x10000x128xf32, #tpu.memory_space<vmem>>, vector<1x10000x128xf32>
    %get3A_24 = vector.shape_cast %get3A_23 : vector<1x10000x128xf32> to vector<10000x128xf32>
    %add3A_25 = arith.addf %get3A_19, %get3A_24 : vector<10000x128xf32>
    %mul3A = vector.broadcast %select_n3A_14 : vector<10000x1xf32> to vector<10000x128xf32>
    %mul3A_26 = arith.mulf %add3A_25, %mul3A : vector<10000x128xf32>
    %get3A_27 = arith.constant 0 : index
    %get3A_28 = arith.constant 0 : index
    %get3A_29 = vector.load %arg3[%get3A_27, %get3A_28] : memref<1x128xf32, #tpu.memory_space<vmem>>, vector<1x128xf32>
    %add3A_30 = vector.broadcast %get3A_29 : vector<1x128xf32> to vector<10000x128xf32>
    %add3A_31 = arith.addf %mul3A_26, %add3A_30 : vector<10000x128xf32>
    %swap3A = arith.constant 0 : index
    %swap3A_32 = arith.constant 0 : index
    %swap3A_33 = vector.load %arg4[%swap3A, %swap3A_32] : memref<10000x128xf32, #tpu.memory_space<vmem>>, vector<10000x128xf32>
    tpu.vector_store %arg4[%swap3A, %swap3A_32], %add3A_31 {strides = array<i32>} : memref<10000x128xf32, #tpu.memory_space<vmem>>, vector<10000x128xf32>,
    return
  }
}

module attributes {stable_mosaic.version = 14 : i64} {
  func.func @_combine_body(%arg0: memref<2x10000x128xf32, #tpu.memory_space<vmem>>, %arg1: memref<10000x1xf32, #tpu.memory_space<vmem>>, %arg2: memref<10000x1xf32, #tpu.memory_space<vmem>>, %arg3: memref<1x128xf32, #tpu.memory_space<vmem>>, %arg4: memref<10000x128xf32, #tpu.memory_space<vmem>>) attributes {dimension_semantics = [], scalar_prefetch = 0 : i64, scratch_operands = 0 : i64, tpu.core_type = #tpu.core_type<tc>} {
    %get3A = arith.constant 0 : index
    %get3A_0 = arith.constant 0 : index
    %get3A_1 = vector.load %arg1[%get3A, %get3A_0] : memref<10000x1xf32, #tpu.memory_space<vmem>>, vector<10000x1xf32>
    %get3A_2 = arith.constant 0 : index
    %get3A_3 = arith.constant 0 : index
    %get3A_4 = vector.load %arg2[%get3A_2, %get3A_3] : memref<10000x1xf32, #tpu.memory_space<vmem>>, vector<10000x1xf32>
    %add3A = arith.addf %get3A_1, %get3A_4 : vector<10000x1xf32>
    %gt3A = arith.constant 0.000000e+00 : f32
    %gt3A_5 = vector.broadcast %gt3A : f32 to vector<10000x1xf32>
    %gt3A_6 = arith.cmpf ogt, %add3A, %gt3A_5 : vector<10000x1xf32>
    %gt3A_7 = arith.constant 0.000000e+00 : f32
    %gt3A_8 = vector.broadcast %gt3A_7 : f32 to vector<10000x1xf32>
    %gt3A_9 = arith.cmpf ogt, %add3A, %gt3A_8 : vector<10000x1xf32>
    %jit3A = arith.constant 1.000000e+00 : f32
    %broadcast_in_dim3A = vector.broadcast %jit3A : f32 to vector<10000x1xf32>
    %select_n3A = arith.select %gt3A_9, %add3A, %broadcast_in_dim3A : vector<10000x1xi1>, vector<10000x1xf32>
    %div3A = arith.constant 1.000000e+00 : f32
    %div3A_10 = vector.broadcast %div3A : f32 to vector<10000x1xf32>
    %div3A_11 = arith.divf %div3A_10, %select_n3A : vector<10000x1xf32>
    %jit3A_12 = arith.constant 0.000000e+00 : f32
    %broadcast_in_dim3A_13 = vector.broadcast %jit3A_12 : f32 to vector<10000x1xf32>
    %select_n3A_14 = arith.select %gt3A_6, %div3A_11, %broadcast_in_dim3A_13 : vector<10000x1xi1>, vector<10000x1xf32>
    %get3A_15 = arith.constant 0 : index
    %get3A_16 = arith.constant 0 : index
    %get3A_17 = arith.constant 0 : index
    %get3A_18 = vector.load %arg0[%get3A_15, %get3A_16, %get3A_17] : memref<2x10000x128xf32, #tpu.memory_space<vmem>>, vector<1x10000x128xf32>
    %get3A_19 = vector.shape_cast %get3A_18 : vector<1x10000x128xf32> to vector<10000x128xf32>
    %get3A_20 = arith.constant 1 : index
    %get3A_21 = arith.constant 0 : index
    %get3A_22 = arith.constant 0 : index
    %get3A_23 = vector.load %arg0[%get3A_20, %get3A_21, %get3A_22] : memref<2x10000x128xf32, #tpu.memory_space<vmem>>, vector<1x10000x128xf32>
    %get3A_24 = vector.shape_cast %get3A_23 : vector<1x10000x128xf32> to vector<10000x128xf32>
    %add3A_25 = arith.addf %get3A_19, %get3A_24 : vector<10000x128xf32>
    %mul3A = vector.broadcast %select_n3A_14 : vector<10000x1xf32> to vector<10000x128xf32>
    %mul3A_26 = arith.mulf %add3A_25, %mul3A : vector<10000x128xf32>
    %get3A_27 = arith.constant 0 : index
    %get3A_28 = arith.constant 0 : index
    %get3A_29 = vector.load %arg3[%get3A_27, %get3A_28] : memref<1x128xf32, #tpu.memory_space<vmem>>, vector<1x128xf32>
    %add3A_30 = vector.broadcast %get3A_29 : vector<1x128xf32> to vector<10000x128xf32>
    %add3A_31 = arith.addf %mul3A_26, %add3A_30 : vector<10000x128xf32>
    %swap3A = arith.constant 0 : index
    %swap3A_32 = arith.constant 0 : index
    %swap3A_33 = vector.load %arg4[%swap3A, %swap3A_32] : memref<10000x128xf32, #tpu.memory_space<vmem>>, vector<10000x128xf32>
    tpu.vector_store %arg4[%swap3A, %swap3A_32], %add3A_31 {strides = array<i32>} : memref<10000x128xf32, #tpu.memory_space<vmem>>, vector<10000x128xf32>,
    return
  }
}

</mosaic_0001>

<sc_bundles>
// kernel: kernel.10.cloned.1.call-start
scs
__scs_entry_jumppad:
0x0: {  	(pc) =	sbr.rel $0x88, $3  }
0x1: {  	(tag) =	ssettag $0x0;
	lr =	simm.s32 $0x1  }
0x2: {  	[smem:$0x3F9C] =	sst lr;
	_ =	strace $0xD0000000  }
0x3: {  	_ = 	snop  }
0x4: {  	_ = 	snop  }
0x5: {  	_ = 	snop  }
0x6: {  	_ = 	snop  }
0x7: {  	_ = 	snop  }
__scs_overlays_trampoline_lowered:
0x8: {  	[smem:$0x3FAB] =	sst s0  }
0x9: {  	[smem:$0x3FAC] =	sst s1  }
0xa: {  	[smem:$0x3FAD] =	sst s2  }
0xb: {  	[smem:$0x3FAE] =	sst s3  }
0xc: {  	[smem:$0x3FAF] =	sst s4  }
0xd: {  	[smem:$0x3FB0] =	sst s5  }
0xe: {  	[smem:$0x3FB1] =	sst s6  }
0xf: {  	[smem:$0x3FB2] =	sst s7  }
0x10: {  	[smem:$0x3FB3] =	sst s8  }
0x11: {  	[smem:$0x3FB4] =	sst s9;
	s0 =	simm.s32 @!p0 $0x0  }
0x12: {  	s1 =	sld [smem:$0x3F9A];
	s0 =	simm.s32 @p0 $0x1  }
0x13: {  	[smem:$0x3FB5] =	sst s0;
	s0 =	simm.s32 @!p1 $0x0  }
0x14: {  	s2 =	sld [smem:$0x3F99];
	s0 =	simm.s32 @p1 $0x1  }
0x15: {  	[smem:$0x3FB6] =	sst s0;
	s0 =	simm.s32 @!p2 $0x0  }
0x16: {  	s3 =	sld [smem:$0x3FDB];
	s0 =	simm.s32 @p2 $0x1  }
0x17: {  	s4 =	simm.s32 $0x1BF5;
	[smem:$0x3FB8] =	sst s0  }
0x18: {  	s0 =	sld [smem:$0x3F9B];
	_ =	swait.ge [sflag:s4], $0x0  }
0x19: {  	s7 =	sld [smem:$0x3F9C]  }
0x1a: {  	s8 =	sadd.s32 $0xFFFFE003, lr  }
0x1b: {  	s9 =	sadd.s32 $0xFFFFFEF7, lr;
	s5 =	simm.s32 $0xFFFFFFFF;
	p2 =	slt.u32 s8, $0xFFFFF086  }
0x1c: {  	p1 =	slt.u32 s9, $0xF7A;
	s5 =	simm.s32 @!p2 $0x0  }
0x1d: {  	s5 =	simm.s32 @p1 $0x1;
	p0 =	seq.s32 s7, s2  }
0x1e: {  	s7 =	smul.u32 @!p0 $0xF7A, s2;
	p2 =	seq.s32 @!p0 s5, $0x0  }
0x1f: {  	s9 =	smul.u32 $0xF7A, s1;
	s8 =	simm.s32 @!p0 $0x1BF5;
	p2 =	por !p2, p0  }
0x20: {  	[sflag:s8] =	ssyncset.s32 @!p0 $0xFFFFF086;
	s6 =	sadd.s32 @!p0 s3, s7;
	s7 =	simm.s32 @!p0 $0x108  }
0x21: {  	s3 =	sadd.s32 s3, s9;
	s6 =	sadd.s32 @!p0 $0x88, s6;
	s7 =	simm.s32 @p2 $0x1082  }
0x22: {  	[simem:s7], [sflag:s8] =	dma.local @!p0 [hbm:s6], $0xF7A  }
0x23: {  	s9 =	sor.u32 $0xD0000000, s2;
	s6 =	simm.s32 $0x108;
	_ =	swait.ge @!p0 [sflag:s8], $0x0  }
0x24: {  	s3 =	sadd.s32 $0x88, s3;
	s6 =	simm.s32 @!p1 $0x1082;
	[sflag:s4] =	ssyncset.s32 $0xFFFFF086  }
0x25: {  	[simem:s6], [sflag:s4] =	dma.local [hbm:s3], $0xF7A  }
0x26: {  	[smem:$0x3F9C] =	sst s1;
	(tag) =	ssettag s2;
	_ =	strace s9  }
0x27: {  	s1 =	sld [smem:$0x3FAC]  }
0x28: {  	s2 =	sld [smem:$0x3FAD]  }
0x29: {  	s4 =	sld [smem:$0x3FAF]  }
0x2a: {  	p0 =	seq.s32 s5, $0x0;
	s5 =	sld [smem:$0x3FB0]  }
0x2b: {  	s6 =	sld [smem:$0x3FB1]  }
0x2c: {  	s7 =	sld [smem:$0x3FB2]  }
0x2d: {  	s3 =	simm.s32 $0x108;
	s8 =	sld [smem:$0x3FB3]  }
0x2e: {  	s3 =	simm.s32 @!p0 $0x1082;
	s9 =	sld [smem:$0x3FB4]  }
0x2f: {  	lr =	sadd.s32 s0, s3;
	s0 =	sld [smem:$0x3FAB]  }
0x30: {  	s3 =	sld [smem:$0x3FAE]  }
0x31: {  	[smem:$0x3FB7] =	sst s10  }
0x32: {  	s10 =	sld [smem:$0x3FB5];
	_ =	sdelay $0x3  }
0x33: {  	p0 =	seq.s32 s10, $0x1;
	s10 =	sld [smem:$0x3FB7];
	_ =	sdelay $0x3  }
0x34: {  	[smem:$0x3FB7] =	sst s10  }
0x35: {  	s10 =	sld [smem:$0x3FB6];
	_ =	sdelay $0x3  }
0x36: {  	p1 =	seq.s32 s10, $0x1;
	s10 =	sld [smem:$0x3FB7];
	_ =	sdelay $0x3  }
0x37: {  	[smem:$0x3FB7] =	sst s10  }
0x38: {  	s10 =	sld [smem:$0x3FB8]  }
0x39: {  	_ = 	snop;
	(pc) =	sbr.ind lr, $3  }
0x3a: {  	_ = 	snop  }
0x3b: {  	_ = 	snop  }
0x3c: {  	p2 =	seq.s32 s10, $0x1;
	s10 =	sld [smem:$0x3FB7]  }
0x3d: {  	_ =	shalt  }
0x3e: {  	_ =	shalt  }
0x3f: {  	_ =	shalt  }
0x40: {  	_ =	shalt  }
0x41: {  	_ =	shalt  }
0x42: {  	_ =	shalt  }
0x43: {  	_ =	shalt  }
0x44: {  	_ =	shalt  }
0x45: {  	_ =	shalt  }
0x46: {  	_ =	shalt  }
0x47: {  	_ =	shalt  }
0x48: {  	_ =	shalt  }
0x49: {  	_ =	shalt  }
0x4a: {  	_ =	shalt  }
0x4b: {  	_ =	shalt  }
0x4c: {  	_ =	shalt  }
0x4d: {  	_ =	shalt  }
0x4e: {  	_ =	shalt  }
0x4f: {  	_ =	shalt  }
0x50: {  	_ =	shalt  }
0x51: {  	_ =	shalt  }
0x52: {  	_ =	shalt  }
0x53: {  	_ =	shalt  }
0x54: {  	_ =	shalt  }
0x55: {  	_ =	shalt  }
0x56: {  	_ =	shalt  }
0x57: {  	_ =	shalt  }
0x58: {  	_ =	shalt  }
0x59: {  	_ =	shalt  }
0x5a: {  	_ =	shalt  }
0x5b: {  	_ =	shalt  }
0x5c: {  	_ =	shalt  }
0x5d: {  	_ =	shalt  }
0x5e: {  	_ =	shalt  }
0x5f: {  	_ =	shalt  }
0x60: {  	_ =	shalt  }
0x61: {  	_ =	shalt  }
0x62: {  	_ =	shalt  }
0x63: {  	_ =	shalt  }
0x64: {  	_ =	shalt  }
0x65: {  	_ =	shalt  }
0x66: {  	_ =	shalt  }
0x67: {  	_ =	shalt  }
0x68: {  	_ =	shalt  }
0x69: {  	_ =	shalt  }
0x6a: {  	_ =	shalt  }
0x6b: {  	_ =	shalt  }
0x6c: {  	_ =	shalt  }
0x6d: {  	_ =	shalt  }
0x6e: {  	_ =	shalt  }
0x6f: {  	_ =	shalt  }
0x70: {  	_ =	shalt  }
0x71: {  	_ =	shalt  }
0x72: {  	_ =	shalt  }
0x73: {  	_ =	shalt  }
0x74: {  	_ =	shalt  }
0x75: {  	_ =	shalt  }
0x76: {  	_ =	shalt  }
0x77: {  	_ =	shalt  }
0x78: {  	_ =	shalt  }
0x79: {  	_ =	shalt  }
0x7a: {  	_ =	shalt  }
0x7b: {  	_ =	shalt  }
0x7c: {  	_ =	shalt  }
0x7d: {  	_ =	shalt  }
0x7e: {  	_ =	shalt  }
0x7f: {  	_ =	shalt  }
0x80: {  	_ =	shalt  }
0x81: {  	_ =	shalt  }
0x82: {  	_ =	shalt  }
0x83: {  	_ =	shalt  }
0x84: {  	_ =	shalt  }
0x85: {  	_ =	shalt  }
0x86: {  	_ =	shalt  }
0x87: {  	_ =	shalt  }
.Lfunc_end0:
.L_simem_size_0:
called_computation.1_lowered:
.L_overlay_start_0:
0x88: {  	s2 =	sld [smem:$0x3FD9]  }
0x89: {  	s3 =	sld [smem:$0x3FFE];
	_ =	sdelay $0x1  }
0x8a: {  	s1 =	srdreg.scid  }
0x8b: {  	s0 =	sand.u32 $0x1, s1  }
0x8c: {  	s17 =	sshll.u32 s0, $0xA;
	s2 =	sadd.s32 s3, s2  }
0x8d: {  	s2 =	sadd.s32 s2, s17  }
0x8e: {  	[smem:$0x3FC3] =	sst s2  }
0x8f: {  	_ = 	snop  }
0x90: {  	s2 =	sld [smem:$0x3FD0];
	(tm) =	ssettm $0x1  }
0x91: {  	s18 =	sld [smem:$0x3FFB];
	_ =	sdelay $0x3  }
0x92: {  	_ =	strace s18  }
0x93: {  	s3 =	sld [smem:$0x3FFC];
	_ =	sdelay $0x3  }
0x94: {  	_ =	strace s3  }
0x95: {  	s3 =	sld [smem:$0x3FFD];
	_ =	sdelay $0x3  }
0x96: {  	_ =	strace s3  }
0x97: {  	_ =	strace $0x8FFFFFFF  }
0x98: {  	s19 =	sld [smem:$0x3FDB];
	_ =	sdelay $0x1  }
0x99: {  	s4 =	simm.s32 $_scs_section_size  }
0x9a: {  	s5 =	simm.s32 $_size__tile_overlayer_lowered;
	s6 =	simm.s32 $_tile_overlayer_lowered  }
0x9b: {  	s22 =	simm.s32 $0x1BFF;
	s21 =	sshll.u32 s6, $0x1;
	s3 =	sadd.s32 s4, s19  }
0x9c: {  	s7 =	simm.s32 $0x0;
	s20 =	sshll.u32 s5, $0x1;
	s5 =	sadd.s32 s21, s3  }
0x9d: {  	[timem:s7], [sflag:s22] =	dma.local [hbm:s5], s20  }
0x9e: {  	_ =	swait.ge [sflag:s22], s20  }
0x9f: {  	s4 =	ssub.s32 $0x0, s20;
	[sflag:s22] =	ssyncset.done $0x0  }
0xa0: {  	[sflag:s22] =	ssyncadd.s32 s4;
	_ =	sdelay $0x1  }
0xa1: {  	s23 =	simm.s32 $0x1B8B  }
0xa2: {  	_ =	swait.ge [sflag:s23], $0x1  }
0xa3: {  	[sflag:s23] =	ssyncset.done $0x0  }
0xa4: {  	s25 =	simm.s32 $0x1B8E;
	s24 =	sld [smem:$0x3FFE];
	[sflag:s23] =	ssyncadd.s32 $0xFFFFFFFF  }
0xa5: {  	s26 =	simm.s32 $execute0_lowered;
	[smem:$0x3FD2] =	sst s25  }
0xa6: {  	s5 =	sshll.u32 s26, $0x1;
	_ =	strace $0x80000049;
	[dreg:$0x1] =	wrdreg $0xFFFFFFFF  }
0xa7: {  	s28 =	simm.s32 $_size_execute0_lowered;
	s3 =	sadd.s32 s3, s5;
	[dreg:$0x0] =	wrdreg $0x0  }
0xa8: {  	s5 =	sshll.u32 s28, $0x1;
	[dreg:$0x2] =	wrdreg s3  }
0xa9: {  	[dreg:$0x3] =	wrdreg s5  }
0xaa: {  	[dreg:$0x4] =	wrdreg $0xC0  }
0xab: {  	_ =	task [dreg:s7], $0x5FFFF  }
0xac: {  	[dreg:$0x1] =	wrdreg $0xFFFFFFFF  }
0xad: {  	[dreg:$0x0] =	wrdreg $0x60  }
0xae: {  	[dreg:$0x2] =	wrdreg s24  }
0xaf: {  	[dreg:$0x3] =	wrdreg s2  }
0xb0: {  	[dreg:$0x4] =	wrdreg $0xA0000  }
0xb1: {  	[dreg:$0x5] =	wrdreg $0x9  }
0xb2: {  	_ =	task.clear_ibuf [dreg:s7], $0x6FFFF;
	_ =	strace $0x90000049  }
0xb3: {  	s29 =	simm.s32 $0x9;
	_ =	strace $0x8000004B  }
0xb4: {  	_ =	swait.ge [sflag:s29], $0x1  }
0xb5: {  	[sflag:s29] =	ssyncadd.s32 $0xFFFFFFFF  }
0xb6: {  	_ =	strace $0x9000004B  }
0xb7: {  	_ =	sfence  }
0xb8: {  	s30 =	sld [smem:$0x0];
	_ =	sdelay $0x2  }
0xb9: {  	s31 =	sshll.u32 s1, $0xD;
	s1 =	sshrl.u32 s1, $0x2  }
0xba: {  	s3 =	sand.u32 $0x4000, s31;
	s1 =	sadd.s32 s1, s30  }
0xbb: {  	s0 =	sor.u32 s3, s0;
	s1 =	sshll.u32 s1, $0x11  }
0xbc: {  	s0 =	sor.u32 s1, s0  }
0xbd: {  	s0 =	sadd.s32 $0x8F2B, s0  }
0xbe: {  	[sflag:s0] =	ssyncadd.remote.s32 $0x1  }
0xbf: {  	_ =	sfence.sel $0xFFFF  }
0xc0: {  	[dreg:$0x0] =	wrdreg $0xFFFFFFFF;
	(pc) =	sbr.abs _section_cstart, $3  }
0xc1: {  	[dreg:$0x1] =	wrdreg $0xFFFFFFFF  }
0xc2: {  	_ =	task.clear_ibuf [dreg:s7], $0x2FFFF;
	_ =	strace $0x9FFFFFFF  }
0xc3: {  	(tm) =	ssettm $0x7FFFFFFF  }
tec
execute0_lowered:
.L_overlay_start_1:
0x0: {  	(tag) =	ssettag $0x1  }
0x1: {  	s0 =	rddreg [dreg:$0x0]  }
0x2: {  	s1 =	rddreg [dreg:$0x1]  }
0x3: {  	s3 =	rddreg [dreg:$0x2]  }
0x4: {  	s4 =	simm.s32 $0x0;
	s2 =	stileid.u32;
	s8 =	srdreg.scid  }
0x5: {  	s18 =	simm.s32 $0x1000;
	s19 =	simm.s32 $0x2;
	s20 =	simm.s32 $0x7D  }
0x6: {  	s21 =	simm.s32 $0x2000;
	s22 =	simm.s32 $0x1;
	s23 =	simm.s32 $0x3  }
0x7: {  	s24 =	simm.s32 $0x6000;
	s25 =	simm.s32 $0x0;
	[smem:$0x7FF] =	sst s4  }
0x8: {  	s7 =	smul.u32 $0x2780, s2;
	s5 =	sadd.s32 $0xB600, s0;
	s6 =	sadd.s32 $0x1600, s0  }
0x9: {  	s8 =	sand.u32 $0x1, s8;
	s10 =	smul.u32 $0x4F000, s2;
	s12 =	sadd.s32 $0x3CE00, s0  }
0xa: {  	s15 =	smul.u32 $0x13C00, s2;
	s16 =	sadd.s32 $0x128400, s3;
	p0 =	seq.s32 s2, $0xF  }
0xb: {  	_ =	strace $0x8000004A;
	s28 =	sshll.u32 s8, $0x4;
	s11 =	ssub.s32 $0x2, s8  }
0xc: {  	s29 =	smul.u32 $0x138800, s8;
	s9 =	sadd.s32 s7, s0;
	s7 =	sor.u32 s2, s28  }
0xd: {  	s13 =	sshrl.u32 s11, $0x1;
	s10 =	sshrl.u32 s10, $0x2;
	s7 =	smul.u32 $0x2800, s7  }
0xe: {  	s14 =	ssub.s32 s11, s13;
	s17 =	sadd.s32 s10, s3;
	s8 =	sadd.s32 $0x15C00, s9  }
0xf: {  	s9 =	sadd.s32 $0x3AC80, s0;
	s31 =	sadd.s32 s15, s29;
	s13 =	sshrl.u32 s29, $0x3  }
0x10: {  	s15 =	sshrl.u32 @p0 s16, $0x3;
	s0 =	sshrl.u32 s31, $0x3;
	s13 =	sadd.s32 s12, s13  }
0x11: {  	s14 =	smax.u32 s14, $0x1;
	s17 =	sshrl.u32 @!p0 s17, $0x3;
	s30 =	sshrl.u32 s7, $0x3  }
0x12: {  	s12 =	sadd.s32 s12, s0;
	s13 =	sadd.s32 $0x25080, s13;
	s0 =	sshll.u32 @!p0 s2, $0x6  }
0x13: {  	s10 =	sadd.s32 s5, s30;
	s11 =	sadd.s32 s6, s30;
	s16 =	sor.u32 @!p0 $0x1C03, s0  }
.LBB2_1:
0x14: {  	s0 =	simm.s32 @p0 $0x1FC3  }
0x15: {  	[spmem:s15], [sflag:s0] =	dma.local @p0 [hbm:s9], $0x2080  }
0x16: {  	s0 =	simm.s32 @p0 $0x3  }
0x17: {  	_ =	swait.ge @p0 [sflag:s0], $0x2080  }
0x18: {  	[sflag:s0] =	ssyncset.done @p0 $0x0  }
0x19: {  	[sflag:s0] =	ssyncadd.s32 @p0 $0xFFFFDF80;
	s0 =	simm.s32 @!p0 $0x3  }
0x1a: {  	[spmem:s17], [sflag:s16] =	dma.local @!p0 [hbm:s8], $0x2780  }
0x1b: {  	_ =	swait.ge @!p0 [sflag:s0], $0x2780  }
0x1c: {  	[sflag:s0] =	ssyncset.done @!p0 $0x0  }
0x1d: {  	[sflag:s0] =	ssyncadd.s32 @!p0 $0xFFFFD880  }
0x1e: {  	[tilespmem:s4], [sflag:$0x2] =	stream.linear.gather [hbm4b:s10+s4], $0x800, $0x38;
	[tilespmem:$0x1D880] =	vst v63  }
0x1f: {  	_ = 	snop  }
0x20: {  	[tilespmem:s18], [sflag:$0x2] =	stream.linear.gather [hbm4b:s11+s4], $0x800, $0x38;
	[tilespmem:$0x1D880] =	vst v63  }
0x21: {  	s26 =	simm.s32 $0x0;
	[bflag:$0x0] =	sbarrier.arrive $0xFFFF  }
.LBB2_2:
0x22: {  	_ =	swait.ge [sflag:s19], $0x800;
	p1 =	seq.s32 s26, $0x4  }
0x23: {  	[sflag:s19] =	ssyncset.done $0x0;
	s0 =	sshll.u32 @!p1 s26, $0xB  }
0x24: {  	[sflag:s19] =	ssyncadd.s32 $0xFFFFF800;
	s28 =	sadd.s32 @!p1 $0x800, s0  }
0x25: {  	_ =	swait.ge [sflag:s19], $0x800;
	s29 =	sadd.s32 @!p1 s7, s28  }
0x26: {  	s31 =	simm.s32 @!p1 $0x0;
	[sflag:s19] =	ssyncset.done $0x0;
	s29 =	sshrl.u32 @!p1 s29, $0x3  }
0x27: {  	s28 =	sand.u32 @!p1 $0x800, s28;
	[sflag:s19] =	ssyncadd.s32 $0xFFFFF800;
	s30 =	sadd.s32 @!p1 s5, s29  }
0x28: {  	[tilespmem:s28], [sflag:$0x2] =	stream.linear.gather @!p1 [hbm4b:s30+s31], $0x800, $0x38;
	[tilespmem:$0x1D880] =	vst v63  }
0x29: {  	s29 =	sadd.s32 @!p1 s6, s29;
	s28 =	sor.u32 @!p1 $0x1000, s28  }
0x2a: {  	[tilespmem:s28], [sflag:$0x2] =	stream.linear.gather @!p1 [hbm4b:s29+s31], $0x800, $0x38;
	[tilespmem:$0x1D880] =	vst v63  }
0x2b: {  	s28 =	sand.u32 @!p1 $0x800, s0;
	s29 =	simm.s32 $0x4000  }
0x2c: {  	s28 =	simm.s32 @p1 $0x0;
	s2 =	sand.u32 $0x4000, s29  }
0x2d: {  	[tilespmem:s21], [sflag:$0x1] =	stream.indirect.gather [hbm4b:s1+s20], $0x80, s28, s20, $0xb8;
	[tilespmem:$0x1D880] =	vst v63  }
0x2e: {  	s30 =	sadd.s32 $0x80, s28;
	s0 =	sor.u32 $0x2000, s2  }
0x2f: {  	[tilespmem:s0], [sflag:$0x1] =	stream.indirect.gather [hbm4b:s1+s20], $0x80, s30, s20, $0xb8;
	[tilespmem:$0x1D880] =	vst v63  }
0x30: {  	s2 =	simm.s32 $0x0;
	_ =	swait.ge [sflag:s22], $0x3E80  }
0x31: {  	s0 =	sand.u32 $0x4000, s2;
	[sflag:s22] =	ssyncset.done $0x0  }
0x32: {  	s31 =	sor.u32 $0x1000, s28;
	s0 =	sor.u32 $0x2000, s0;
	[sflag:s22] =	ssyncadd.s32 $0xFFFFC180  }
.LBB2_3:
0x33: {  	[spmem:s3] =	stream.indirect.scatter.add.f32 [tilespmem:s0], [sflag:$0x3], $0x80, s31, s20, $0xb8;
	[tilespmem:$0x1D880] =	vst v63  }
0x34: {  	s0 =	smov.u32 s29  }
0x35: {  	p1 =	sne.s32 s29, $0x38000;
	s29 =	sadd.s32 $0x4000, s29;
	_ =	swait.ge [sflag:s23], $0x3E80  }
0x36: {  	s30 =	sadd.s32 $0x80, s30;
	s2 =	sand.u32 $0x4000, s29;
	[sflag:s23] =	ssyncset.done $0x0  }
.Ltmp0:
0x37: {  	s2 =	sor.u32 $0x2000, s2;
	[sflag:s23] =	ssyncadd.s32 $0xFFFFC180;
	(pc) =	sbr.rel @p1 .LBB2_3-.Ltmp0, $4  }
0x38: {  	[tilespmem:s2], [sflag:$0x1] =	stream.indirect.gather [hbm4b:s1+s20], $0x80, s30, s20, $0xb8;
	[tilespmem:$0x1D880] =	vst v63  }
0x39: {  	_ =	swait.ge [sflag:s22], $0x3E80  }
0x3a: {  	s0 =	sand.u32 $0x4000, s0;
	[sflag:s22] =	ssyncset.done $0x0  }
0x3b: {  	s31 =	sadd.s32 $0x80, s31;
	s0 =	sor.u32 $0x2000, s0;
	[sflag:s22] =	ssyncadd.s32 $0xFFFFC180  }
0x3c: {  	[spmem:s3] =	stream.indirect.scatter.add.f32 [tilespmem:s0], [sflag:$0x3], $0x80, s31, s20, $0xb8;
	[tilespmem:$0x1D880] =	vst v63  }
0x3d: {  	_ =	swait.ge [sflag:s23], $0x3E80  }
0x3e: {  	[sflag:s23] =	ssyncset.done $0x0  }
0x3f: {  	[sflag:s23] =	ssyncadd.s32 $0xFFFFC180  }
0x40: {  	s26 =	sadd.s32 $0x1, s26;
	_ =	swait.ge [sflag:s22], $0x3E80  }
0x41: {  	p1 =	sne.s32 s26, $0x5;
	[sflag:s22] =	ssyncset.done $0x0  }
.Ltmp1:
0x42: {  	s31 =	sadd.s32 $0x1780, s28;
	[sflag:s22] =	ssyncadd.s32 $0xFFFFC180;
	(pc) =	sbr.rel @p1 .LBB2_2-.Ltmp1, $4  }
0x43: {  	[spmem:s3] =	stream.indirect.scatter.add.f32 [tilespmem:s24], [sflag:$0x3], $0x80, s31, s20, $0xb8;
	[tilespmem:$0x1D880] =	vst v63  }
0x44: {  	_ =	swait.ge [sflag:s23], $0x3E80  }
0x45: {  	[sflag:s23] =	ssyncset.done $0x0  }
0x46: {  	[sflag:s23] =	ssyncadd.s32 $0xFFFFC180  }
0x47: {  	[bflag:$0x0] =	sbarrier.arrive $0xFFFF;
	s0 =	simm.s32 @p0 $0x1FC3  }
0x48: {  	[hbm:s13], [sflag:s0] =	dma.local @p0 [spmem:s15], $0x2080  }
0x49: {  	s0 =	simm.s32 @p0 $0x3  }
0x4a: {  	s25 =	sadd.s32 $0x1, s25;
	_ =	swait.ge @p0 [sflag:s0], $0x2080  }
0x4b: {  	p1 =	sne.s32 s25, s14;
	[sflag:s0] =	ssyncset.done @p0 $0x0  }
.Ltmp2:
0x4c: {  	[sflag:s0] =	ssyncadd.s32 @p0 $0xFFFFDF80;
	s0 =	simm.s32 @!p0 $0x3;
	(pc) =	sbr.rel @p1 .LBB2_1-.Ltmp2, $4  }
0x4d: {  	[hbm:s12], [sflag:s16] =	dma.local @!p0 [spmem:s17], $0x2780  }
0x4e: {  	_ =	swait.ge @!p0 [sflag:s0], $0x2780  }
0x4f: {  	[sflag:s0] =	ssyncset.done @!p0 $0x0  }
0x50: {  	[sflag:s0] =	ssyncadd.s32 @!p0 $0xFFFFD880  }
0x51: {  	_ =	sfence.sel $0x180000  }
0x52: {  	[bflag:$0x0] =	sbarrier.arrive $0xFFFF  }
0x53: {  	_ =	strace $0x9000004A  }
0x54: {  	s0 =	stileid.u32;
	[bflag:$0x2] =	sbarrier.arrive $0xFFFF  }
0x55: {  	p0 =	sne.s32 s0, $0x0;
	s0 =	rddreg [dreg:$0x3]  }
0x56: {  	s0 =	sadd.s32 @!p0 $0x100000, s0  }
0x57: {  	[sflag:s0] =	ssyncadd.tile.s32 @!p0 $0x1;
	_ =	shalt  }
.Lfunc_end2:
_tile_overlayer_lowered:
.L_overlay_start_2:
0x58: {  	(tag) =	ssettag $0x2  }
0x59: {  	s0 =	rddreg [dreg:$0x0];
	s2 =	stileid.u32  }
0x5a: {  	s1 =	rddreg [dreg:$0x1];
	p0 =	sne.s32 s2, $0x0  }
0x5b: {  	s3 =	rddreg [dreg:$0x2];
	[bflag:$0x3] =	sbarrier.arrive $0xFFFF;
	s2 =	simm.s32 @!p0 $0x1C03  }
0x5c: {  	[timem:s3], [sflag:s2] =	dma.local @!p0 [hbm:s0], s1  }
0x5d: {  	s0 =	simm.s32 @!p0 $0x3  }
0x5e: {  	_ =	swait.ge @!p0 [sflag:s0], s1  }
0x5f: {  	s1 =	ssub.s32 @!p0 $0x0, s1;
	[sflag:s0] =	ssyncset.done @!p0 $0x0  }
0x60: {  	[sflag:s0] =	ssyncadd.s32 @!p0 s1  }
0x61: {  	[bflag:$0x3] =	sbarrier.arrive $0xFFFF  }
0x62: {  	_ =	shalt  }

// kernel: kernel.7.cloned.1.call-start
scs
__scs_entry_jumppad:
0x0: {  	(pc) =	sbr.rel $0x88, $3  }
0x1: {  	(tag) =	ssettag $0x0;
	lr =	simm.s32 $0x1  }
0x2: {  	[smem:$0x3F9C] =	sst lr;
	_ =	strace $0xD0000000  }
0x3: {  	_ = 	snop  }
0x4: {  	_ = 	snop  }
0x5: {  	_ = 	snop  }
0x6: {  	_ = 	snop  }
0x7: {  	_ = 	snop  }
__scs_overlays_trampoline_lowered:
0x8: {  	[smem:$0x3FAB] =	sst s0  }
0x9: {  	[smem:$0x3FAC] =	sst s1  }
0xa: {  	[smem:$0x3FAD] =	sst s2  }
0xb: {  	[smem:$0x3FAE] =	sst s3  }
0xc: {  	[smem:$0x3FAF] =	sst s4  }
0xd: {  	[smem:$0x3FB0] =	sst s5  }
0xe: {  	[smem:$0x3FB1] =	sst s6  }
0xf: {  	[smem:$0x3FB2] =	sst s7  }
0x10: {  	[smem:$0x3FB3] =	sst s8  }
0x11: {  	[smem:$0x3FB4] =	sst s9;
	s0 =	simm.s32 @!p0 $0x0  }
0x12: {  	s1 =	sld [smem:$0x3F9A];
	s0 =	simm.s32 @p0 $0x1  }
0x13: {  	[smem:$0x3FB5] =	sst s0;
	s0 =	simm.s32 @!p1 $0x0  }
0x14: {  	s2 =	sld [smem:$0x3F99];
	s0 =	simm.s32 @p1 $0x1  }
0x15: {  	[smem:$0x3FB6] =	sst s0;
	s0 =	simm.s32 @!p2 $0x0  }
0x16: {  	s3 =	sld [smem:$0x3FDB];
	s0 =	simm.s32 @p2 $0x1  }
0x17: {  	s4 =	simm.s32 $0x1BF5;
	[smem:$0x3FB8] =	sst s0  }
0x18: {  	s0 =	sld [smem:$0x3F9B];
	_ =	swait.ge [sflag:s4], $0x0  }
0x19: {  	s7 =	sld [smem:$0x3F9C]  }
0x1a: {  	s8 =	sadd.s32 $0xFFFFE003, lr  }
0x1b: {  	s9 =	sadd.s32 $0xFFFFFEF7, lr;
	s5 =	simm.s32 $0xFFFFFFFF;
	p2 =	slt.u32 s8, $0xFFFFF086  }
0x1c: {  	p1 =	slt.u32 s9, $0xF7A;
	s5 =	simm.s32 @!p2 $0x0  }
0x1d: {  	s5 =	simm.s32 @p1 $0x1;
	p0 =	seq.s32 s7, s2  }
0x1e: {  	s7 =	smul.u32 @!p0 $0xF7A, s2;
	p2 =	seq.s32 @!p0 s5, $0x0  }
0x1f: {  	s9 =	smul.u32 $0xF7A, s1;
	s8 =	simm.s32 @!p0 $0x1BF5;
	p2 =	por !p2, p0  }
0x20: {  	[sflag:s8] =	ssyncset.s32 @!p0 $0xFFFFF086;
	s6 =	sadd.s32 @!p0 s3, s7;
	s7 =	simm.s32 @!p0 $0x108  }
0x21: {  	s3 =	sadd.s32 s3, s9;
	s6 =	sadd.s32 @!p0 $0x88, s6;
	s7 =	simm.s32 @p2 $0x1082  }
0x22: {  	[simem:s7], [sflag:s8] =	dma.local @!p0 [hbm:s6], $0xF7A  }
0x23: {  	s9 =	sor.u32 $0xD0000000, s2;
	s6 =	simm.s32 $0x108;
	_ =	swait.ge @!p0 [sflag:s8], $0x0  }
0x24: {  	s3 =	sadd.s32 $0x88, s3;
	s6 =	simm.s32 @!p1 $0x1082;
	[sflag:s4] =	ssyncset.s32 $0xFFFFF086  }
0x25: {  	[simem:s6], [sflag:s4] =	dma.local [hbm:s3], $0xF7A  }
0x26: {  	[smem:$0x3F9C] =	sst s1;
	(tag) =	ssettag s2;
	_ =	strace s9  }
0x27: {  	s1 =	sld [smem:$0x3FAC]  }
0x28: {  	s2 =	sld [smem:$0x3FAD]  }
0x29: {  	s4 =	sld [smem:$0x3FAF]  }
0x2a: {  	p0 =	seq.s32 s5, $0x0;
	s5 =	sld [smem:$0x3FB0]  }
0x2b: {  	s6 =	sld [smem:$0x3FB1]  }
0x2c: {  	s7 =	sld [smem:$0x3FB2]  }
0x2d: {  	s3 =	simm.s32 $0x108;
	s8 =	sld [smem:$0x3FB3]  }
0x2e: {  	s3 =	simm.s32 @!p0 $0x1082;
	s9 =	sld [smem:$0x3FB4]  }
0x2f: {  	lr =	sadd.s32 s0, s3;
	s0 =	sld [smem:$0x3FAB]  }
0x30: {  	s3 =	sld [smem:$0x3FAE]  }
0x31: {  	[smem:$0x3FB7] =	sst s10  }
0x32: {  	s10 =	sld [smem:$0x3FB5];
	_ =	sdelay $0x3  }
0x33: {  	p0 =	seq.s32 s10, $0x1;
	s10 =	sld [smem:$0x3FB7];
	_ =	sdelay $0x3  }
0x34: {  	[smem:$0x3FB7] =	sst s10  }
0x35: {  	s10 =	sld [smem:$0x3FB6];
	_ =	sdelay $0x3  }
0x36: {  	p1 =	seq.s32 s10, $0x1;
	s10 =	sld [smem:$0x3FB7];
	_ =	sdelay $0x3  }
0x37: {  	[smem:$0x3FB7] =	sst s10  }
0x38: {  	s10 =	sld [smem:$0x3FB8]  }
0x39: {  	_ = 	snop;
	(pc) =	sbr.ind lr, $3  }
0x3a: {  	_ = 	snop  }
0x3b: {  	_ = 	snop  }
0x3c: {  	p2 =	seq.s32 s10, $0x1;
	s10 =	sld [smem:$0x3FB7]  }
0x3d: {  	_ =	shalt  }
0x3e: {  	_ =	shalt  }
0x3f: {  	_ =	shalt  }
0x40: {  	_ =	shalt  }
0x41: {  	_ =	shalt  }
0x42: {  	_ =	shalt  }
0x43: {  	_ =	shalt  }
0x44: {  	_ =	shalt  }
0x45: {  	_ =	shalt  }
0x46: {  	_ =	shalt  }
0x47: {  	_ =	shalt  }
0x48: {  	_ =	shalt  }
0x49: {  	_ =	shalt  }
0x4a: {  	_ =	shalt  }
0x4b: {  	_ =	shalt  }
0x4c: {  	_ =	shalt  }
0x4d: {  	_ =	shalt  }
0x4e: {  	_ =	shalt  }
0x4f: {  	_ =	shalt  }
0x50: {  	_ =	shalt  }
0x51: {  	_ =	shalt  }
0x52: {  	_ =	shalt  }
0x53: {  	_ =	shalt  }
0x54: {  	_ =	shalt  }
0x55: {  	_ =	shalt  }
0x56: {  	_ =	shalt  }
0x57: {  	_ =	shalt  }
0x58: {  	_ =	shalt  }
0x59: {  	_ =	shalt  }
0x5a: {  	_ =	shalt  }
0x5b: {  	_ =	shalt  }
0x5c: {  	_ =	shalt  }
0x5d: {  	_ =	shalt  }
0x5e: {  	_ =	shalt  }
0x5f: {  	_ =	shalt  }
0x60: {  	_ =	shalt  }
0x61: {  	_ =	shalt  }
0x62: {  	_ =	shalt  }
0x63: {  	_ =	shalt  }
0x64: {  	_ =	shalt  }
0x65: {  	_ =	shalt  }
0x66: {  	_ =	shalt  }
0x67: {  	_ =	shalt  }
0x68: {  	_ =	shalt  }
0x69: {  	_ =	shalt  }
0x6a: {  	_ =	shalt  }
0x6b: {  	_ =	shalt  }
0x6c: {  	_ =	shalt  }
0x6d: {  	_ =	shalt  }
0x6e: {  	_ =	shalt  }
0x6f: {  	_ =	shalt  }
0x70: {  	_ =	shalt  }
0x71: {  	_ =	shalt  }
0x72: {  	_ =	shalt  }
0x73: {  	_ =	shalt  }
0x74: {  	_ =	shalt  }
0x75: {  	_ =	shalt  }
0x76: {  	_ =	shalt  }
0x77: {  	_ =	shalt  }
0x78: {  	_ =	shalt  }
0x79: {  	_ =	shalt  }
0x7a: {  	_ =	shalt  }
0x7b: {  	_ =	shalt  }
0x7c: {  	_ =	shalt  }
0x7d: {  	_ =	shalt  }
0x7e: {  	_ =	shalt  }
0x7f: {  	_ =	shalt  }
0x80: {  	_ =	shalt  }
0x81: {  	_ =	shalt  }
0x82: {  	_ =	shalt  }
0x83: {  	_ =	shalt  }
0x84: {  	_ =	shalt  }
0x85: {  	_ =	shalt  }
0x86: {  	_ =	shalt  }
0x87: {  	_ =	shalt  }
.Lfunc_end0:
.L_simem_size_0:
called_computation_lowered:
.L_overlay_start_0:
0x88: {  	s2 =	sld [smem:$0x3FD9]  }
0x89: {  	s3 =	sld [smem:$0x3FFE];
	_ =	sdelay $0x1  }
0x8a: {  	s1 =	srdreg.scid  }
0x8b: {  	s0 =	sand.u32 $0x1, s1  }
0x8c: {  	s17 =	sshll.u32 s0, $0xA;
	s2 =	sadd.s32 s3, s2  }
0x8d: {  	s2 =	sadd.s32 s2, s17  }
0x8e: {  	[smem:$0x3FC3] =	sst s2  }
0x8f: {  	_ = 	snop  }
0x90: {  	s2 =	sld [smem:$0x3FC7]  }
0x91: {  	s18 =	sld [smem:$0x3FD0];
	(tm) =	ssettm $0x1  }
0x92: {  	s4 =	sld [smem:$0x3FFB];
	_ =	sdelay $0x3  }
0x93: {  	_ =	strace s4  }
0x94: {  	s4 =	sld [smem:$0x3FFC];
	_ =	sdelay $0x3  }
0x95: {  	_ =	strace s4  }
0x96: {  	s4 =	sld [smem:$0x3FFD];
	_ =	sdelay $0x3  }
0x97: {  	_ =	strace s4  }
0x98: {  	_ =	strace $0x8FFFFFFF  }
0x99: {  	s19 =	sld [smem:$0x3FDB];
	_ =	sdelay $0x1  }
0x9a: {  	s5 =	simm.s32 $_scs_section_size  }
0x9b: {  	s6 =	simm.s32 $_size__tile_overlayer_lowered;
	s7 =	simm.s32 $_tile_overlayer_lowered  }
0x9c: {  	s22 =	simm.s32 $0x1BFF;
	s21 =	sshll.u32 s7, $0x1;
	s4 =	sadd.s32 s5, s19  }
0x9d: {  	s8 =	simm.s32 $0x0;
	s20 =	sshll.u32 s6, $0x1;
	s6 =	sadd.s32 s21, s4  }
0x9e: {  	[timem:s8], [sflag:s22] =	dma.local [hbm:s6], s20  }
0x9f: {  	_ =	swait.ge [sflag:s22], s20  }
0xa0: {  	s5 =	ssub.s32 $0x0, s20;
	[sflag:s22] =	ssyncset.done $0x0  }
0xa1: {  	[sflag:s22] =	ssyncadd.s32 s5;
	_ =	sdelay $0x1  }
0xa2: {  	s23 =	simm.s32 $0x1B8B  }
0xa3: {  	_ =	swait.ge [sflag:s23], $0x1  }
0xa4: {  	[sflag:s23] =	ssyncset.done $0x0  }
0xa5: {  	s25 =	simm.s32 $0x1B8E;
	s24 =	sld [smem:$0x3FFE];
	[sflag:s23] =	ssyncadd.s32 $0xFFFFFFFF  }
0xa6: {  	s26 =	simm.s32 $execute0_lowered;
	[smem:$0x3FD2] =	sst s25  }
0xa7: {  	s6 =	sshll.u32 s26, $0x1;
	_ =	strace $0x80000046;
	[dreg:$0x1] =	wrdreg $0xFFFFFFFF  }
0xa8: {  	s28 =	simm.s32 $_size_execute0_lowered;
	s4 =	sadd.s32 s4, s6;
	[dreg:$0x0] =	wrdreg $0x0  }
0xa9: {  	s6 =	sshll.u32 s28, $0x1;
	[dreg:$0x2] =	wrdreg s4  }
0xaa: {  	[dreg:$0x3] =	wrdreg s6  }
0xab: {  	[dreg:$0x4] =	wrdreg $0xC0  }
0xac: {  	_ =	task [dreg:s8], $0x5FFFF  }
0xad: {  	[dreg:$0x1] =	wrdreg $0xFFFFFFFF  }
0xae: {  	[dreg:$0x0] =	wrdreg $0x60  }
0xaf: {  	[dreg:$0x2] =	wrdreg s24  }
0xb0: {  	[dreg:$0x3] =	wrdreg s18  }
0xb1: {  	[dreg:$0x4] =	wrdreg s2  }
0xb2: {  	[dreg:$0x5] =	wrdreg $0xA0000  }
0xb3: {  	[dreg:$0x6] =	wrdreg $0x1E1000  }
0xb4: {  	[dreg:$0x7] =	wrdreg $0x1E3780  }
0xb5: {  	[dreg:$0x8] =	wrdreg $0x9  }
0xb6: {  	_ =	task.clear_ibuf [dreg:s8], $0x9FFFF;
	_ =	strace $0x90000046  }
0xb7: {  	s29 =	simm.s32 $0x9;
	_ =	strace $0x80000048  }
0xb8: {  	_ =	swait.ge [sflag:s29], $0x1  }
0xb9: {  	[sflag:s29] =	ssyncadd.s32 $0xFFFFFFFF  }
0xba: {  	_ =	strace $0x90000048  }
0xbb: {  	_ =	sfence  }
0xbc: {  	s30 =	sld [smem:$0x0];
	_ =	sdelay $0x2  }
0xbd: {  	s31 =	sshll.u32 s1, $0xD;
	s1 =	sshrl.u32 s1, $0x2  }
0xbe: {  	s3 =	sand.u32 $0x4000, s31;
	s1 =	sadd.s32 s1, s30  }
0xbf: {  	s0 =	sor.u32 s3, s0;
	s1 =	sshll.u32 s1, $0x11  }
0xc0: {  	s0 =	sor.u32 s1, s0  }
0xc1: {  	s0 =	sadd.s32 $0x8F2B, s0  }
0xc2: {  	[sflag:s0] =	ssyncadd.remote.s32 $0x1  }
0xc3: {  	_ =	sfence.sel $0xFFFF  }
0xc4: {  	[dreg:$0x0] =	wrdreg $0xFFFFFFFF;
	(pc) =	sbr.abs _section_cstart, $3  }
0xc5: {  	[dreg:$0x1] =	wrdreg $0xFFFFFFFF  }
0xc6: {  	_ =	task.clear_ibuf [dreg:s8], $0x2FFFF;
	_ =	strace $0x9FFFFFFF  }
0xc7: {  	(tm) =	ssettm $0x7FFFFFFF  }
tec
execute0_lowered:
.L_overlay_start_1:
0x0: {  	(tag) =	ssettag $0x1  }
0x1: {  	s0 =	rddreg [dreg:$0x0]  }
0x2: {  	s1 =	rddreg [dreg:$0x1]  }
0x3: {  	s2 =	rddreg [dreg:$0x2]  }
0x4: {  	s3 =	rddreg [dreg:$0x3]  }
0x5: {  	s5 =	rddreg [dreg:$0x4]  }
0x6: {  	s6 =	rddreg [dreg:$0x5];
	s4 =	simm.s32 $0x0  }
0x7: {  	s19 =	stileid.u32;
	s11 =	srdreg.scid;
	s28 =	simm.s32 $0x7D  }
0x8: {  	s31 =	simm.s32 $0x1;
	[smem:$0x7FF] =	sst s4;
	s7 =	smul.u32 $0x2780, s19  }
0x9: {  	s8 =	sadd.s32 $0x1600, s0;
	s9 =	sadd.s32 $0xB600, s0;
	s12 =	sadd.s32 $0x15600, s0  }
0xa: {  	s10 =	sadd.s32 $0x3DA00, s0;
	s13 =	sadd.s32 $0x8BC00, s0;
	s14 =	sadd.s32 $0x8C200, s0  }
0xb: {  	s11 =	sand.u32 $0x1, s11;
	_ =	strace $0x80000047;
	[dreg:$0x7] =	wrdreg s12  }
0xc: {  	s15 =	sadd.s32 $0x3CE00, s0;
	s16 =	sadd.s32 $0x3D400, s0;
	[dreg:$0x8] =	wrdreg s13  }
0xd: {  	s18 =	smul.u32 $0x13C00, s19;
	p0 =	sne.s32 s19, $0xF;
	[dreg:$0x9] =	wrdreg s14  }
0xe: {  	[dreg:$0xa] =	wrdreg s15;
	s12 =	ssub.s32 $0x2, s11;
	s13 =	smul.u32 $0x4F000, s19  }
0xf: {  	[dreg:$0xb] =	wrdreg s16;
	s15 =	smul.u32 $0x138800, s11;
	s16 =	sshll.u32 s11, $0x4  }
0x10: {  	s25 =	sor.u32 s11, s19;
	p5 =	seq.s32 s11, $0x1;
	s7 =	sadd.s32 s7, s0  }
0x11: {  	s14 =	sshrl.u32 s12, $0x1;
	s17 =	sor.u32 s19, s16;
	s0 =	sadd.s32 $0x3AC80, s0  }
0x12: {  	p1 =	sne.s32 s25, $0x0;
	s25 =	simm.s32 $0x3;
	s13 =	sshrl.u32 s13, $0x2  }
0x13: {  	s12 =	ssub.s32 s12, s14;
	s20 =	sadd.s32 $0x15C00, s7;
	s17 =	smul.u32 $0x2800, s17  }
0x14: {  	s21 =	sadd.s32 s18, s15;
	s18 =	sadd.s32 $0x128400, s3;
	[dreg:$0xf] =	wrdreg s0  }
0x15: {  	s24 =	sshrl.u32 s15, $0x3;
	s4 =	simm.s32 @!p1 $0x0;
	s7 =	simm.s32 $0x1E080  }
0x16: {  	s14 =	simm.s32 $0x5;
	s15 =	simm.s32 $0x0;
	s16 =	sadd.s32 s13, s3  }
0x17: {  	[dreg:$0xd] =	wrdreg s20;
	s22 =	sshrl.u32 s21, $0x3;
	s4 =	simm.s32 @p1 $0x1  }
0x18: {  	p1 =	seq.s32 @p0 s19, $0x1;
	s30 =	smax.u32 s12, $0x1;
	[dreg:$0xe] =	wrdreg s18  }
0x19: {  	s12 =	simm.s32 $0x1E000;
	s13 =	simm.s32 $0x4;
	[smem:$0x7F7] =	sst s4  }
0x1a: {  	s0 =	sadd.s32 s10, s22;
	p2 =	por p1, !p0;
	[dreg:$0x14] =	wrdreg s30  }
0x1b: {  	p3 =	por !p1, !p0;
	[dreg:$0x10] =	wrdreg s0;
	s0 =	sadd.s32 s10, s24  }
0x1c: {  	[dreg:$0xc] =	wrdreg s16;
	p2 =	sne.s32 @!p2 s19, $0x0;
	s0 =	sadd.s32 $0x25080, s0  }
0x1d: {  	p4 =	por @p0 p2, p1;
	[dreg:$0x13] =	wrdreg s0;
	s0 =	simm.s32 @!p3 $0x0  }
0x1e: {  	p1 =	por @p0 !p2, p1;
	p2 =	por p4, !p0;
	s0 =	simm.s32 @p3 $0x1  }
0x1f: {  	s23 =	sshrl.u32 s17, $0x3;
	[smem:$0x7F8] =	sst s0;
	s0 =	simm.s32 @!p2 $0x0  }
0x20: {  	s4 =	simm.s32 @!p5 $0x0;
	p1 =	por !p1, !p0;
	s0 =	simm.s32 @p2 $0x1  }
0x21: {  	s26 =	sadd.s32 s8, s23;
	[smem:$0x7F9] =	sst s0;
	s0 =	simm.s32 @!p1 $0x0  }
0x22: {  	[dreg:$0x11] =	wrdreg s26;
	s0 =	simm.s32 @p1 $0x1;
	p1 =	sne.s32 s11, $0x0  }
0x23: {  	s29 =	sadd.s32 s9, s23;
	[smem:$0x7FA] =	sst s0;
	s0 =	simm.s32 @!p1 $0x0  }
0x24: {  	[dreg:$0x12] =	wrdreg s29;
	s0 =	simm.s32 @p1 $0x1;
	p1 =	seq.s32 s19, $0xF  }
0x25: {  	s4 =	simm.s32 @p5 $0x1;
	[smem:$0x7FB] =	sst s0;
	s0 =	simm.s32 @!p1 $0x0  }
0x26: {  	s26 =	simm.s32 $0x2;
	[smem:$0x7FD] =	sst s4;
	s0 =	simm.s32 @p1 $0x1  }
0x27: {  	v0 =	vimm.f32 $1.000000000e+00;
	s11 =	simm.s32 $0x6000;
	[smem:$0x7FC] =	sst s0;
	s0 =	simm.s32 $0x6  }
.LBB2_1:
0x28: {  	[dreg:$0x15] =	wrdreg s15;
	s10 =	sshll.u32 @p0 s19, $0x6  }
0x29: {  	s15 =	sshrl.u32 @p0 s16, $0x3;
	s4 =	rddreg [dreg:$0xd];
	s10 =	sor.u32 @p0 $0x1C06, s10  }
0x2a: {  	[spmem:s15], [sflag:s10] =	dma.local @p0 [hbm:s4], $0x2780  }
0x2b: {  	s10 =	simm.s32 @p0 $0x6  }
0x2c: {  	_ =	swait.ge @p0 [sflag:s10], $0x2780  }
0x2d: {  	s20 =	sld [smem:$0x7F8];
	_ =	sdelay $0x2  }
0x2e: {  	[sflag:s10] =	ssyncset.done @p0 $0x0;
	s4 =	rddreg [dreg:$0x7];
	p2 =	seq.s32 s20, $0x1  }
0x2f: {  	[sflag:s10] =	ssyncadd.s32 @p0 $0xFFFFD880;
	s10 =	sshrl.u32 @!p2 s6, $0x3;
	s15 =	simm.s32 @!p2 $0x1C46  }
0x30: {  	[spmem:s10], [sflag:s15] =	dma.local @!p2 [hbm:s4], $0x4F0  }
0x31: {  	s10 =	simm.s32 @!p2 $0x6  }
0x32: {  	_ =	swait.ge @!p2 [sflag:s10], $0x4F0  }
0x33: {  	s21 =	sld [smem:$0x7F9];
	_ =	sdelay $0x2  }
0x34: {  	[sflag:s10] =	ssyncset.done @!p2 $0x0;
	p1 =	seq.s32 s21, $0x1  }
0x35: {  	[sflag:s10] =	ssyncadd.s32 @!p2 $0xFFFFFB10;
	s10 =	sshrl.u32 @!p1 s5, $0x3;
	s15 =	simm.s32 @!p1 $0x1C06  }
0x36: {  	[spmem:s10], [sflag:s15] =	dma.local @!p1 [hbm:s4], $0x4F0  }
0x37: {  	s10 =	simm.s32 @!p1 $0x6  }
0x38: {  	_ =	swait.ge @!p1 [sflag:s10], $0x4F0  }
0x39: {  	s15 =	simm.s32 @!p0 $0x1FC6;
	[sflag:s10] =	ssyncset.done @!p1 $0x0  }
0x3a: {  	s4 =	rddreg [dreg:$0xf];
	[sflag:s10] =	ssyncadd.s32 @!p1 $0xFFFFFB10;
	s10 =	sshrl.u32 @!p0 s18, $0x3  }
0x3b: {  	[spmem:s10], [sflag:s15] =	dma.local @!p0 [hbm:s4], $0x2080  }
0x3c: {  	s10 =	simm.s32 @!p0 $0x6  }
0x3d: {  	_ =	swait.ge @!p0 [sflag:s10], $0x2080  }
0x3e: {  	[sflag:s10] =	ssyncset.done @!p0 $0x0  }
0x3f: {  	[sflag:s10] =	ssyncadd.s32 @!p0 $0xFFFFDF80  }
0x40: {  	[tilespmem:$0x1E080] =	vst v0  }
0x41: {  	[tilespmem:$0x1E090] =	vst v0  }
0x42: {  	[tilespmem:$0x1E0A0] =	vst v0  }
0x43: {  	s22 =	sld [smem:$0x7FA];
	[tilespmem:$0x1E0B0] =	vst v0  }
0x44: {  	p4 =	por @p0 $0x0, $0x0;
	[tilespmem:$0x1E0C0] =	vst v0  }
0x45: {  	p3 =	por @p0 $0x0, $0x0;
	s23 =	simm.s32 $0x0;
	s30 =	simm.s32 $0x1000;
	[tilespmem:$0x1E0D0] =	vst v0  }
0x46: {  	p1 =	por @!p1 $0x0, $0x0;
	s24 =	rddreg [dreg:$0x11];
	[tilespmem:$0x1E0E0] =	vst v0;
	p6 =	seq.s32 s22, $0x1  }
0x47: {  	s19 =	simm.s32 $0x0;
	s29 =	rddreg [dreg:$0x12];
	[tilespmem:$0x1E0ED] =	vst v0;
	p3 =	por @!p6 p1, p1  }
0x48: {  	[tilespmem:s23], [sflag:$0x2] =	stream.linear.gather [hbm4b:s24+s23], $0x800, $0x38;
	[tilespmem:$0x1E5F0] =	vst v63  }
0x49: {  	p1 =	por @!p2 $0x1, $0x1;
	p4 =	por @!p6 p5, p5;
	p5 =	por @!p2 $0x0, $0x0  }
0x4a: {  	p3 =	por @!p2 p1, p1;
	p1 =	por @!p0 $0x0, $0x0;
	p4 =	por @!p2 p5, p5  }
0x4b: {  	[tilespmem:s30], [sflag:$0x2] =	stream.linear.gather [hbm4b:s29+s23], $0x800, $0x38;
	[tilespmem:$0x1E5F0] =	vst v63  }
0x4c: {  	p3 =	por @!p0 p1, p1;
	p4 =	por @!p0 p1, p1;
	[bflag:$0x0] =	sbarrier.arrive $0xFFFF  }
.LBB2_2:
0x4d: {  	_ =	swait.ge [sflag:s26], $0x800;
	p1 =	seq.s32 s19, $0x4  }
0x4e: {  	[sflag:s26] =	ssyncset.done $0x0;
	s10 =	sshll.u32 @!p1 s19, $0xB  }
0x4f: {  	[sflag:s26] =	ssyncadd.s32 $0xFFFFF800;
	s15 =	sadd.s32 @!p1 $0x800, s10  }
0x50: {  	_ =	swait.ge [sflag:s26], $0x800;
	s20 =	sadd.s32 @!p1 s17, s15  }
0x51: {  	s22 =	simm.s32 @!p1 $0x0;
	[sflag:s26] =	ssyncset.done $0x0;
	s20 =	sshrl.u32 @!p1 s20, $0x3  }
0x52: {  	s15 =	sand.u32 @!p1 $0x800, s15;
	[sflag:s26] =	ssyncadd.s32 $0xFFFFF800;
	s21 =	sadd.s32 @!p1 s8, s20  }
0x53: {  	[tilespmem:s15], [sflag:$0x2] =	stream.linear.gather @!p1 [hbm4b:s21+s22], $0x800, $0x38;
	[tilespmem:$0x1E5F0] =	vst v63  }
0x54: {  	s20 =	sadd.s32 @!p1 s9, s20;
	s15 =	sor.u32 @!p1 $0x1000, s15  }
0x55: {  	[tilespmem:s15], [sflag:$0x2] =	stream.linear.gather @!p1 [hbm4b:s20+s22], $0x800, $0x38;
	[tilespmem:$0x1E5F0] =	vst v63  }
0x56: {  	s4 =	simm.s32 $0x2000;
	s20 =	sand.u32 @!p1 $0x800, s10  }
0x57: {  	s29 =	simm.s32 $0x1D880;
	s21 =	simm.s32 $0x4000;
	s20 =	simm.s32 @p1 $0x0  }
0x58: {  	[tilespmem:s4], [sflag:$0x1] =	stream.indirect.gather [hbm4b:s1+s28], $0x80, s20, s28, $0xb8;
	[tilespmem:$0x1E5F0] =	vst v63  }
0x59: {  	s30 =	sand.u32 $0x4000, s21;
	s22 =	sor.u32 $0x1000, s20;
	s4 =	sadd.s32 $0x0, s20  }
0x5a: {  	[tilespmem:s29], [sflag:$0x3] =	stream.indirect.gather [hbm4b:s2+s28], $0x1, s22, s28, $0xb8;
	[tilespmem:$0x1E5F0] =	vst v63  }
0x5b: {  	s10 =	sor.u32 $0x2000, s30;
	s24 =	sadd.s32 $0x80, s4;
	s23 =	sadd.s32 $0x0, s22  }
0x5c: {  	[tilespmem:s10], [sflag:$0x1] =	stream.indirect.gather [hbm4b:s1+s28], $0x80, s24, s28, $0xb8;
	[tilespmem:$0x1E5F0] =	vst v63  }
0x5d: {  	s16 =	simm.s32 $0x1D900;
	s18 =	sadd.s32 $0x80, s23  }
0x5e: {  	[tilespmem:s16], [sflag:$0x3] =	stream.indirect.gather [hbm4b:s2+s28], $0x1, s18, s28, $0xb8;
	[tilespmem:$0x1E5F0] =	vst v63  }
0x5f: {  	s29 =	simm.s32 $0x0;
	_ =	swait.ge [sflag:s31], $0x3E80  }
0x60: {  	s10 =	sand.u32 $0x4000, s29;
	[sflag:s31] =	ssyncset.done $0x0  }
0x61: {  	s10 =	sor.u32 $0x2000, s10;
	[sflag:s31] =	ssyncadd.s32 $0xFFFFC180  }
0x62: {  	[spmem:s3] =	stream.indirect.scatter.add.f32 [tilespmem:s10], [sflag:$0x6], $0x80, s23, s28, $0xb8;
	[tilespmem:$0x1E5F0] =	vst v63  }
0x63: {  	_ =	swait.ge [sflag:s0], $0x3E80  }
0x64: {  	[sflag:s0] =	ssyncset.done $0x0  }
0x65: {  	[sflag:s0] =	ssyncadd.s32 $0xFFFFC180  }
0x66: {  	_ =	swait.ge [sflag:s25], $0x7D  }
0x67: {  	s30 =	simm.s32 $0x1D880;
	s15 =	simm.s32 $0x400;
	[sflag:s25] =	ssyncset.done $0x0  }
0x68: {  	s24 =	simm.s32 $0x80;
	s10 =	simm.s32 $0x8000;
	[sflag:s25] =	ssyncadd.s32 $0xFFFFFF83  }
0x69: {  	[spmem:s5] =	stream.indirect.scatter.add.f32 [tilespmem:s30], [sflag:$0x4], $0x1, s4, s28, $0xb8;
	[tilespmem:$0x1E5F0] =	vst v63  }
.LBB2_3:
0x6a: {  	s18 =	sand.u32 $0x4000, s10  }
0x6b: {  	s4 =	sadd.s32 s24, s20;
	s16 =	smov.u32 s15;
	s29 =	sadd.s32 $0x200, s15  }
0x6c: {  	[spmem:s6] =	stream.indirect.scatter.add.f32 [tilespmem:s7], [sflag:$0x5], $0x1, s23, s28, $0xb8;
	[tilespmem:$0x1E5F0] =	vst v63  }
0x6d: {  	s18 =	sor.u32 $0x2000, s18;
	s30 =	sadd.s32 $0x80, s4;
	s23 =	sadd.s32 s24, s22  }
0x6e: {  	[tilespmem:s18], [sflag:$0x1] =	stream.indirect.gather [hbm4b:s1+s28], $0x80, s30, s28, $0xb8;
	[tilespmem:$0x1E5F0] =	vst v63  }
0x6f: {  	p1 =	sne.s32 s15, $0x1C00;
	s15 =	sadd.s32 $0x1D900, s24;
	s18 =	sadd.s32 $0x80, s23  }
0x70: {  	[tilespmem:s15], [sflag:$0x3] =	stream.indirect.gather [hbm4b:s2+s28], $0x1, s18, s28, $0xb8;
	[tilespmem:$0x1E5F0] =	vst v63  }
0x71: {  	_ =	swait.ge [sflag:s31], $0x3E80  }
0x72: {  	s15 =	sand.u32 $0x4000, s21;
	s21 =	smov.u32 s10;
	[sflag:s31] =	ssyncset.done $0x0  }
0x73: {  	s15 =	sor.u32 $0x2000, s15;
	[sflag:s31] =	ssyncadd.s32 $0xFFFFC180  }
0x74: {  	[spmem:s3] =	stream.indirect.scatter.add.f32 [tilespmem:s15], [sflag:$0x6], $0x80, s23, s28, $0xb8;
	[tilespmem:$0x1E5F0] =	vst v63  }
0x75: {  	_ =	swait.ge [sflag:s0], $0x3E80  }
0x76: {  	[sflag:s0] =	ssyncset.done $0x0  }
0x77: {  	[sflag:s0] =	ssyncadd.s32 $0xFFFFC180  }
.Ltmp0:
0x78: {  	_ =	swait.ge [sflag:s25], $0x7D;
	(pc) =	sbr.rel @p1 .LBB2_3-.Ltmp0, $4  }
0x79: {  	s15 =	sadd.s32 $0x1D880, s24;
	[sflag:s25] =	ssyncset.done $0x0  }
0x7a: {  	s10 =	sadd.s32 $0x4000, s10;
	s24 =	sshra.s32 s16, $0x2;
	[sflag:s25] =	ssyncadd.s32 $0xFFFFFF83  }
0x7b: {  	[spmem:s5] =	stream.indirect.scatter.add.f32 [tilespmem:s15], [sflag:$0x4], $0x1, s4, s28, $0xb8;
	[tilespmem:$0x1E5F0] =	vst v63  }
0x7c: {  	s15 =	smov.u32 s29  }
0x7d: {  	s4 =	sand.u32 $0x4000, s10;
	s30 =	sadd.s32 s24, s20  }
0x7e: {  	[spmem:s6] =	stream.indirect.scatter.add.f32 [tilespmem:s7], [sflag:$0x5], $0x1, s23, s28, $0xb8;
	[tilespmem:$0x1E5F0] =	vst v63  }
0x7f: {  	s16 =	sadd.s32 s24, s22;
	s4 =	sor.u32 $0x2000, s4;
	s15 =	sadd.s32 $0x80, s30  }
0x80: {  	[tilespmem:s4], [sflag:$0x1] =	stream.indirect.gather [hbm4b:s1+s28], $0x80, s15, s28, $0xb8;
	[tilespmem:$0x1E5F0] =	vst v63  }
0x81: {  	s18 =	sadd.s32 $0x1D900, s24;
	s22 =	sadd.s32 $0x80, s16  }
0x82: {  	[tilespmem:s18], [sflag:$0x3] =	stream.indirect.gather [hbm4b:s2+s28], $0x1, s22, s28, $0xb8;
	[tilespmem:$0x1E5F0] =	vst v63  }
0x83: {  	_ =	swait.ge [sflag:s31], $0x3E80  }
0x84: {  	s23 =	sand.u32 $0x4000, s21;
	[sflag:s31] =	ssyncset.done $0x0  }
0x85: {  	s4 =	sor.u32 $0x2000, s23;
	[sflag:s31] =	ssyncadd.s32 $0xFFFFC180  }
0x86: {  	[spmem:s3] =	stream.indirect.scatter.add.f32 [tilespmem:s4], [sflag:$0x6], $0x80, s16, s28, $0xb8;
	[tilespmem:$0x1E5F0] =	vst v63  }
0x87: {  	_ =	swait.ge [sflag:s0], $0x3E80  }
0x88: {  	[sflag:s0] =	ssyncset.done $0x0  }
0x89: {  	[sflag:s0] =	ssyncadd.s32 $0xFFFFC180  }
0x8a: {  	_ =	swait.ge [sflag:s25], $0x7D  }
0x8b: {  	[sflag:s25] =	ssyncset.done $0x0  }
0x8c: {  	s24 =	sadd.s32 $0x1D880, s24;
	[sflag:s25] =	ssyncadd.s32 $0xFFFFFF83  }
0x8d: {  	[spmem:s5] =	stream.indirect.scatter.add.f32 [tilespmem:s24], [sflag:$0x4], $0x1, s30, s28, $0xb8;
	[tilespmem:$0x1E5F0] =	vst v63  }
0x8e: {  	_ = 	snop  }
0x8f: {  	[spmem:s6] =	stream.indirect.scatter.add.f32 [tilespmem:s7], [sflag:$0x5], $0x1, s16, s28, $0xb8;
	[tilespmem:$0x1E5F0] =	vst v63  }
0x90: {  	_ =	swait.ge [sflag:s31], $0x3E80  }
0x91: {  	[sflag:s31] =	ssyncset.done $0x0  }
0x92: {  	s29 =	sor.u32 $0x1780, s20;
	[sflag:s31] =	ssyncadd.s32 $0xFFFFC180  }
0x93: {  	[spmem:s3] =	stream.indirect.scatter.add.f32 [tilespmem:s11], [sflag:$0x6], $0x80, s29, s28, $0xb8;
	[tilespmem:$0x1E5F0] =	vst v63  }
0x94: {  	_ =	swait.ge [sflag:s0], $0x3E80  }
0x95: {  	[sflag:s0] =	ssyncset.done $0x0  }
0x96: {  	[sflag:s0] =	ssyncadd.s32 $0xFFFFC180  }
0x97: {  	_ =	swait.ge [sflag:s25], $0x7D  }
0x98: {  	[sflag:s25] =	ssyncset.done $0x0  }
0x99: {  	s30 =	sor.u32 $0x780, s20;
	[sflag:s25] =	ssyncadd.s32 $0xFFFFFF83  }
0x9a: {  	[spmem:s5] =	stream.indirect.scatter.add.f32 [tilespmem:s12], [sflag:$0x4], $0x1, s30, s28, $0xb8;
	[tilespmem:$0x1E5F0] =	vst v63  }
0x9b: {  	_ = 	snop  }
0x9c: {  	[spmem:s6] =	stream.indirect.scatter.add.f32 [tilespmem:s7], [sflag:$0x5], $0x1, s29, s28, $0xb8;
	[tilespmem:$0x1E5F0] =	vst v63  }
0x9d: {  	_ =	swait.ge [sflag:s13], $0x7D  }
0x9e: {  	[sflag:s13] =	ssyncset.done $0x0  }
0x9f: {  	[sflag:s13] =	ssyncadd.s32 $0xFFFFFF83  }
0xa0: {  	_ =	swait.ge [sflag:s13], $0x7D  }
0xa1: {  	[sflag:s13] =	ssyncset.done $0x0  }
0xa2: {  	[sflag:s13] =	ssyncadd.s32 $0xFFFFFF83  }
0xa3: {  	_ =	swait.ge [sflag:s13], $0x7D  }
0xa4: {  	[sflag:s13] =	ssyncset.done $0x0  }
0xa5: {  	[sflag:s13] =	ssyncadd.s32 $0xFFFFFF83  }
0xa6: {  	_ =	swait.ge [sflag:s13], $0x7D  }
0xa7: {  	[sflag:s13] =	ssyncset.done $0x0  }
0xa8: {  	[sflag:s13] =	ssyncadd.s32 $0xFFFFFF83  }
0xa9: {  	_ =	swait.ge [sflag:s13], $0x7D  }
0xaa: {  	[sflag:s13] =	ssyncset.done $0x0  }
0xab: {  	[sflag:s13] =	ssyncadd.s32 $0xFFFFFF83  }
0xac: {  	_ =	swait.ge [sflag:s13], $0x7D  }
0xad: {  	[sflag:s13] =	ssyncset.done $0x0  }
0xae: {  	[sflag:s13] =	ssyncadd.s32 $0xFFFFFF83  }
0xaf: {  	_ =	swait.ge [sflag:s13], $0x7D  }
0xb0: {  	[sflag:s13] =	ssyncset.done $0x0  }
0xb1: {  	[sflag:s13] =	ssyncadd.s32 $0xFFFFFF83  }
0xb2: {  	_ =	swait.ge [sflag:s13], $0x7D  }
0xb3: {  	[sflag:s13] =	ssyncset.done $0x0  }
0xb4: {  	[sflag:s13] =	ssyncadd.s32 $0xFFFFFF83  }
0xb5: {  	_ =	swait.ge [sflag:s13], $0x7D  }
0xb6: {  	[sflag:s13] =	ssyncset.done $0x0  }
0xb7: {  	[sflag:s13] =	ssyncadd.s32 $0xFFFFFF83  }
0xb8: {  	_ =	swait.ge [sflag:s13], $0x7D  }
0xb9: {  	[sflag:s13] =	ssyncset.done $0x0  }
0xba: {  	[sflag:s13] =	ssyncadd.s32 $0xFFFFFF83  }
0xbb: {  	_ =	swait.ge [sflag:s13], $0x7D  }
0xbc: {  	[sflag:s13] =	ssyncset.done $0x0  }
0xbd: {  	[sflag:s13] =	ssyncadd.s32 $0xFFFFFF83  }
0xbe: {  	_ =	swait.ge [sflag:s13], $0x7D  }
0xbf: {  	[sflag:s13] =	ssyncset.done $0x0  }
0xc0: {  	[sflag:s13] =	ssyncadd.s32 $0xFFFFFF83  }
0xc1: {  	_ =	swait.ge [sflag:s13], $0x7D  }
0xc2: {  	[sflag:s13] =	ssyncset.done $0x0  }
0xc3: {  	[sflag:s13] =	ssyncadd.s32 $0xFFFFFF83  }
0xc4: {  	_ =	swait.ge [sflag:s13], $0x7D  }
0xc5: {  	[sflag:s13] =	ssyncset.done $0x0  }
0xc6: {  	s19 =	sadd.s32 $0x1, s19;
	[sflag:s13] =	ssyncadd.s32 $0xFFFFFF83  }
0xc7: {  	p1 =	sne.s32 s19, $0x5;
	_ =	swait.ge [sflag:s13], $0x7D  }
.Ltmp1:
0xc8: {  	[sflag:s13] =	ssyncset.done $0x0;
	(pc) =	sbr.rel @p1 .LBB2_2-.Ltmp1, $4  }
0xc9: {  	[sflag:s13] =	ssyncadd.s32 $0xFFFFFF83  }
0xca: {  	_ =	swait.ge [sflag:s13], $0x7D  }
0xcb: {  	[sflag:s13] =	ssyncset.done $0x0  }
0xcc: {  	[sflag:s13] =	ssyncadd.s32 $0xFFFFFF83  }
0xcd: {  	_ =	swait.ge [sflag:s14], $0x7D  }
0xce: {  	s10 =	simm.s32 $0x4F;
	[sflag:s14] =	ssyncset.done $0x0  }
.LBB2_6:
0xcf: {  	p1 =	sne.s32 s10, $0x1;
	s10 =	sadd.s32 $0xFFFFFFFF, s10;
	[sflag:s14] =	ssyncadd.s32 $0xFFFFFF83  }
.Ltmp2:
0xd0: {  	(pc) =	sbr.rel @p1 .LBB2_6-.Ltmp2, $3  }
0xd1: {  	_ =	sdelay $0x1  }
0xd2: {  	_ =	swait.ge [sflag:s14], $0x7D  }
0xd3: {  	[sflag:s14] =	ssyncset.done $0x0  }
0xd4: {  	[sflag:s14] =	ssyncadd.s32 $0xFFFFFF83  }
0xd5: {  	[bflag:$0x0] =	sbarrier.arrive $0xFFFF  }
0xd6: {  	s4 =	sld [smem:$0x7FC];
	_ =	sdelay $0x2  }
0xd7: {  	s18 =	rddreg [dreg:$0xe];
	p2 =	seq.s32 s4, $0x1  }
0xd8: {  	s15 =	rddreg [dreg:$0x13];
	s4 =	sshrl.u32 @p2 s18, $0x3;
	s10 =	simm.s32 @p2 $0x1FC6  }
0xd9: {  	[hbm:s15], [sflag:s10] =	dma.local @p2 [spmem:s4], $0x2080  }
0xda: {  	s4 =	simm.s32 @p2 $0x6  }
0xdb: {  	_ =	swait.ge @p2 [sflag:s4], $0x2080  }
0xdc: {  	s19 =	stileid.u32;
	s16 =	rddreg [dreg:$0xc]  }
0xdd: {  	s10 =	sshll.u32 @!p2 s19, $0x6;
	[sflag:s4] =	ssyncset.done @p2 $0x0;
	s15 =	rddreg [dreg:$0x10]  }
0xde: {  	[sflag:s4] =	ssyncadd.s32 @p2 $0xFFFFDF80;
	s4 =	sor.u32 @!p2 $0x1C06, s10;
	s10 =	sshrl.u32 @!p2 s16, $0x3  }
0xdf: {  	[hbm:s15], [sflag:s4] =	dma.local @!p2 [spmem:s10], $0x2780  }
0xe0: {  	s4 =	simm.s32 @!p2 $0x6  }
0xe1: {  	_ =	swait.ge @!p2 [sflag:s4], $0x2780  }
0xe2: {  	s23 =	sld [smem:$0x7F7];
	_ =	sdelay $0x2  }
0xe3: {  	p1 =	seq.s32 s23, $0x1  }
0xe4: {  	[sflag:s4] =	ssyncset.done @!p2 $0x0;
	s15 =	rddreg [dreg:$0x8];
	s10 =	sshll.u32 @!p1 s19, $0x6  }
0xe5: {  	[sflag:s4] =	ssyncadd.s32 @!p2 $0xFFFFD880;
	s4 =	sor.u32 @!p1 $0x1C06, s10;
	s10 =	sshrl.u32 @!p1 s5, $0x3  }
0xe6: {  	[hbm:s15], [sflag:s4] =	dma.local @!p1 [spmem:s10], $0x4F0  }
0xe7: {  	s4 =	simm.s32 @!p1 $0x6  }
0xe8: {  	_ =	swait.ge @!p1 [sflag:s4], $0x4F0  }
0xe9: {  	s10 =	sshll.u32 @p4 s19, $0x6;
	[sflag:s4] =	ssyncset.done @!p1 $0x0;
	s15 =	rddreg [dreg:$0x9]  }
0xea: {  	[sflag:s4] =	ssyncadd.s32 @!p1 $0xFFFFFB10;
	s4 =	sor.u32 @p4 $0x1C06, s10;
	s10 =	sshrl.u32 @p4 s5, $0x3  }
0xeb: {  	[hbm:s15], [sflag:s4] =	dma.local @p4 [spmem:s10], $0x4F0  }
0xec: {  	s4 =	simm.s32 @p4 $0x6  }
0xed: {  	_ =	swait.ge @p4 [sflag:s4], $0x4F0  }
0xee: {  	s24 =	sld [smem:$0x7FB];
	_ =	sdelay $0x2  }
0xef: {  	p2 =	por !p3, !p3;
	p5 =	seq.s32 s24, $0x1  }
0xf0: {  	p1 =	por p5, p2  }
0xf1: {  	[sflag:s4] =	ssyncset.done @p4 $0x0;
	s15 =	rddreg [dreg:$0xa];
	s10 =	sshll.u32 @!p1 s19, $0x6  }
0xf2: {  	[sflag:s4] =	ssyncadd.s32 @p4 $0xFFFFFB10;
	s4 =	sor.u32 @!p1 $0x1C06, s10;
	s10 =	sshrl.u32 @!p1 s6, $0x3  }
0xf3: {  	[hbm:s15], [sflag:s4] =	dma.local @!p1 [spmem:s10], $0x4F0  }
0xf4: {  	s10 =	sld [smem:$0x7FD];
	_ =	sdelay $0x2  }
0xf5: {  	p5 =	seq.s32 s10, $0x1  }
0xf6: {  	s4 =	simm.s32 @!p1 $0x6;
	p6 =	por !p3, !p5  }
0xf7: {  	_ =	swait.ge @!p1 [sflag:s4], $0x4F0;
	p2 =	por !p6, !p6  }
0xf8: {  	[sflag:s4] =	ssyncset.done @!p1 $0x0;
	s15 =	rddreg [dreg:$0xb];
	s10 =	sshll.u32 @p2 s19, $0x6  }
0xf9: {  	[sflag:s4] =	ssyncadd.s32 @!p1 $0xFFFFFB10;
	s4 =	sor.u32 @p2 $0x1C06, s10;
	s10 =	sshrl.u32 @p2 s6, $0x3  }
0xfa: {  	[hbm:s15], [sflag:s4] =	dma.local @p2 [spmem:s10], $0x4F0  }
0xfb: {  	s4 =	simm.s32 @p2 $0x6  }
0xfc: {  	_ =	swait.ge @p2 [sflag:s4], $0x4F0  }
0xfd: {  	s29 =	rddreg [dreg:$0x15]  }
0xfe: {  	s30 =	rddreg [dreg:$0x14];
	s15 =	sadd.s32 $0x1, s29  }
0xff: {  	p1 =	sne.s32 s15, s30  }
.Ltmp3:
0x100: {  	_ = 	snop;
	(pc) =	sbr.rel @p1 .LBB2_1-.Ltmp3, $3  }
0x101: {  	_ =	sdelay $0x1  }
0x102: {  	[sflag:s4] =	ssyncset.done @p2 $0x0  }
0x103: {  	[sflag:s4] =	ssyncadd.s32 @p2 $0xFFFFFB10  }
0x104: {  	_ =	sfence.sel $0x180000  }
0x105: {  	[bflag:$0x0] =	sbarrier.arrive $0xFFFF  }
0x106: {  	_ =	strace $0x90000047  }
0x107: {  	[bflag:$0x2] =	sbarrier.arrive $0xFFFF  }
0x108: {  	p0 =	sne.s32 s19, $0x0;
	s0 =	rddreg [dreg:$0x6]  }
0x109: {  	s0 =	sadd.s32 @!p0 $0x100000, s0  }
0x10a: {  	[sflag:s0] =	ssyncadd.tile.s32 @!p0 $0x1;
	_ =	shalt  }
.Lfunc_end2:
_tile_overlayer_lowered:
.L_overlay_start_2:
0x10b: {  	(tag) =	ssettag $0x2  }
0x10c: {  	s0 =	rddreg [dreg:$0x0];
	s2 =	stileid.u32  }
0x10d: {  	s1 =	rddreg [dreg:$0x1];
	p0 =	sne.s32 s2, $0x0  }
0x10e: {  	s3 =	rddreg [dreg:$0x2];
	[bflag:$0x3] =	sbarrier.arrive $0xFFFF;
	s2 =	simm.s32 @!p0 $0x1C06  }
0x10f: {  	[timem:s3], [sflag:s2] =	dma.local @!p0 [hbm:s0], s1  }
0x110: {  	s0 =	simm.s32 @!p0 $0x6  }
0x111: {  	_ =	swait.ge @!p0 [sflag:s0], s1  }
0x112: {  	s1 =	ssub.s32 @!p0 $0x0, s1;
	[sflag:s0] =	ssyncset.done @!p0 $0x0  }
0x113: {  	[sflag:s0] =	ssyncadd.s32 @!p0 s1  }
0x114: {  	[bflag:$0x3] =	sbarrier.arrive $0xFFFF  }
0x115: {  	_ =	shalt  }

</sc_bundles>
